<compile_context>
chip_gen: v7x
topology: tpu7x:2x2x1
jax: 0.10.2.dev20260603
libtpu: 0.0.44.dev20260713+nightly
codegen_flags: <defaults>
</compile_context>

<pallas_src>
import jax
import jax.numpy as jnp
import numpy as np
from jax import lax
from jax.experimental import pallas as pl
from jax.experimental.pallas import tpu as pltpu
from jax.experimental.pallas import tpu_sc as plsc

_BATCH = 16384
_D = 128
_H1 = 384
_H2 = 256

_NC = 2
_NS = 16
_NW = _NC * _NS
_CH = 128

_BB = 2048
_GB = _BB // 128
_HALF = _BATCH // 2
_HGRID = _HALF // _BB


_SLOTS = 2
_DEPTH = 2


def _make_sc_gather(batch, row0):
    bpw = batch // _NW
    nch = bpw // _CH

    def body(u_hbm, m_hbm, uidx_hbm, iidx_hbm, users_hbm, items_hbm, *scr):
        idx_u, idx_i, buf_u, buf_m = scr[0:4]
        gsem_u = scr[4:8]
        gsem_m = scr[8:12]
        wsem_u = scr[12:16]
        wsem_m = scr[16:20]
        wid = lax.axis_index("s") * _NC + lax.axis_index("c")
        base = wid * bpw
        pltpu.sync_copy(uidx_hbm.at[pl.ds(row0 + base, bpw)], idx_u)
        pltpu.sync_copy(iidx_hbm.at[pl.ds(row0 + base, bpw)], idx_i)

        g = {}
        w = {}

        def start_gather(c):
            s = c % _SLOTS
            g[c] = (pltpu.async_copy(u_hbm.at[idx_u.at[pl.ds(c * _CH, _CH)]],
                                     buf_u.at[s], gsem_u[s]),
                    pltpu.async_copy(m_hbm.at[idx_i.at[pl.ds(c * _CH, _CH)]],
                                     buf_m.at[s], gsem_m[s]))

        for c in range(min(_DEPTH, nch)):
            start_gather(c)
        for c in range(nch):
            s = c % _SLOTS
            g[c][0].wait()
            g[c][1].wait()
            r = base + c * _CH
            w[c] = (pltpu.async_copy(buf_u.at[s],
                                     users_hbm.at[pl.ds(r, _CH)], wsem_u[s]),
                    pltpu.async_copy(buf_m.at[s],
                                     items_hbm.at[pl.ds(r, _CH)], wsem_m[s]))
            n = c + _DEPTH
            if n < nch:
                if n - _SLOTS >= 0:
                    w[n - _SLOTS][0].wait()
                    w[n - _SLOTS][1].wait()
                start_gather(n)
        for c in range(max(0, nch - _SLOTS), nch):
            w[c][0].wait()
            w[c][1].wait()

    return pl.kernel(
        body,
        out_type=(
            jax.ShapeDtypeStruct((batch, _D), jnp.float32),
            jax.ShapeDtypeStruct((batch, _D), jnp.float32),
        ),
        mesh=plsc.VectorSubcoreMesh(core_axis_name="c", subcore_axis_name="s"),
        scratch_types=[
            pltpu.VMEM((bpw,), jnp.int32),
            pltpu.VMEM((bpw,), jnp.int32),
            pltpu.VMEM((_SLOTS, _CH, _D), jnp.float32),
            pltpu.VMEM((_SLOTS, _CH, _D), jnp.float32),
        ] + [pltpu.SemaphoreType.DMA] * 16,
    )


def _tc_mlp_body(u_ref, it_ref, w1_ref, b1_ref, w2_ref, b2_ref, eye_ref,
                 *rest):
    pred_ref, score_ref = rest[-2], rest[-1]
    u = u_ref[...]
    it = it_ref[...]
    ui = u * it
    eye = eye_ref[...]
    ones_mat = jnp.ones((_D, 128), jnp.float32)
    R = jnp.dot(ui, ones_mat, preferred_element_type=jnp.float32)
    pred_pack = jnp.sum(R.reshape(_GB, 128, 128) * eye[None], axis=1)
    pred_ref[...] = pred_pack.reshape(_BB)
    w1 = w1_ref[...]
    h = jnp.dot(u, w1[:_D], preferred_element_type=jnp.float32)
    h = h + jnp.dot(it, w1[_D:2 * _D], preferred_element_type=jnp.float32)
    h = h + jnp.dot(ui, w1[2 * _D:], preferred_element_type=jnp.float32)
    h = jnp.maximum(h + b1_ref[...], 0.0)
    w2bc = jnp.broadcast_to(w2_ref[...], (_H2, 128))
    S = jnp.dot(h, w2bc, preferred_element_type=jnp.float32)
    score_pack = jnp.sum(S.reshape(_GB, 128, 128) * eye[None], axis=1)
    score_ref[...] = score_pack.reshape(_BB) + b2_ref[0]


def _make_tc_mlp(block0, aliased):
    specs = [
        pl.BlockSpec((_BB, _D), lambda i: (i, 0)),
        pl.BlockSpec((_BB, _D), lambda i: (i, 0)),
        pl.BlockSpec((_H1, _H2), lambda i: (0, 0)),
        pl.BlockSpec((_H2,), lambda i: (0,)),
        pl.BlockSpec((_H2, 1), lambda i: (0, 0)),
        pl.BlockSpec(memory_space=pltpu.SMEM),
        pl.BlockSpec((128, 128), lambda i: (0, 0)),
    ]
    if aliased:
        specs += [pl.BlockSpec(memory_space=pl.ANY),
                  pl.BlockSpec(memory_space=pl.ANY)]
    return pl.pallas_call(
        _tc_mlp_body,
        grid=(_HGRID,),
        in_specs=specs,
        out_specs=[
            pl.BlockSpec((_BB,), lambda i, b0=block0: (i + b0,)),
            pl.BlockSpec((_BB,), lambda i, b0=block0: (i + b0,)),
        ],
        out_shape=[
            jax.ShapeDtypeStruct((_BATCH,), jnp.float32),
            jax.ShapeDtypeStruct((_BATCH,), jnp.float32),
        ],
        input_output_aliases={7: 0, 8: 1} if aliased else {},
    )


_sc_gather_h0 = _make_sc_gather(_HALF, 0)
_sc_gather_h1 = _make_sc_gather(_HALF, _HALF)
_tc_mlp_h0 = _make_tc_mlp(0, aliased=False)
_tc_mlp_h1 = _make_tc_mlp(_HGRID, aliased=True)


@jax.jit
def kernel(user_ids, item_ids, U, M, A, B, W1, b1, W2, b2):
    del A, B
    uids = user_ids.astype(jnp.int32)
    iids = item_ids.astype(jnp.int32)
    eye = jnp.asarray(np.eye(128, dtype=np.float32))
    u0, i0 = _sc_gather_h0(U, M, uids, iids)
    u1, i1 = _sc_gather_h1(U, M, uids, iids)
    p0, s0 = _tc_mlp_h0(u0, i0, W1, b1, W2, b2, eye)
    p1, s1 = _tc_mlp_h1(u1, i1, W1, b1, W2, b2, eye, p0, s0)
    return p1, s1

# --- scband reference (transcript-rebuilt; emitter-appended) ---
"""Pipeline reference for scband-multi-task-net-69870527971758 (READ-ONLY COPY).

The authoritative reference and input builder live on the scoring server;
editing this copy changes nothing except your own understanding.
"""

import jax, jax.numpy as jnp
import numpy as np

NUM_USERS = 100000
NUM_ITEMS = 100000
EMBED_DIM = 128
BATCH = 16384
H1 = 384
H2 = 256

def setup_inputs(seed: int = 0) -> dict:
    key = jax.random.key(seed)
    ks = jax.random.split(key, 12)
    user_ids = jax.random.randint(ks[0], (BATCH,), 0, NUM_USERS, dtype=jnp.int64 if jax.config.jax_enable_x64 else jnp.int32)
    item_ids = jax.random.randint(ks[1], (BATCH,), 0, NUM_ITEMS, dtype=jnp.int64 if jax.config.jax_enable_x64 else jnp.int32)
    # ScaledEmbedding init: normal(0, 1/embedding_dim)
    U = jax.random.normal(ks[2], (NUM_USERS, EMBED_DIM), dtype=jnp.float32) / EMBED_DIM
    M = jax.random.normal(ks[3], (NUM_ITEMS, EMBED_DIM), dtype=jnp.float32) / EMBED_DIM
    # ZeroEmbedding biases
    A = jnp.zeros((NUM_USERS, 1), dtype=jnp.float32)
    B = jnp.zeros((NUM_ITEMS, 1), dtype=jnp.float32)
    # MLP: Linear(384, 256) -> ReLU -> Linear(256, 1)
    lim1 = 1.0 / np.sqrt(H1)
    W1 = jax.random.uniform(ks[4], (H1, H2), dtype=jnp.float32, minval=-lim1, maxval=lim1)
    b1 = jax.random.uniform(ks[5], (H2,), dtype=jnp.float32, minval=-lim1, maxval=lim1)
    lim2 = 1.0 / np.sqrt(H2)
    W2 = jax.random.uniform(ks[6], (H2, 1), dtype=jnp.float32, minval=-lim2, maxval=lim2)
    b2 = jax.random.uniform(ks[7], (1,), dtype=jnp.float32, minval=-lim2, maxval=lim2)
    return {"user_ids": user_ids, "item_ids": item_ids, "U": U, "M": M, "A": A, "B": B, "W1": W1, "b1": b1, "W2": W2, "b2": b2}

def reference(user_ids, item_ids, U, M, A, B, W1, b1, W2, b2):
    users = jnp.take(U, user_ids, axis=0)          # [B, D]
    items = jnp.take(M, item_ids, axis=0)          # [B, D]
    user_items = users * items                      # [B, D]
    predictions = jnp.sum(user_items, axis=1, keepdims=True) \
        + jnp.take(A, user_ids, axis=0) \
        + jnp.take(B, item_ids, axis=0)             # [B, 1]
    predictions = jnp.squeeze(predictions)          # [B]
    x = jnp.concatenate((users, items, user_items), axis=1)  # [B, 3D]
    h = jax.nn.relu(x @ W1 + b1)                    # [B, H2]
    score = h @ W2 + b2                             # [B, 1]
    score = jnp.squeeze(score)                      # [B]
    return (predictions, score)

if __name__ == "__main__":
    import jax
    _d = setup_inputs()
    print(jax.jit(kernel)(*tuple(_d.values())))

</pallas_src>

<mosaic_0001>
#map = affine_map<(d0, d1) -> (0, 0)>
#map1 = affine_map<(d0, d1) -> (0)>
module attributes {stable_mosaic.version = 14 : i64} {
  func.func @body(%arg0: i32, %arg1: i32, %arg2: memref<100000x128xf32, #tpu.memory_space<hbm>>, %arg3: memref<100000x128xf32, #tpu.memory_space<hbm>>, %arg4: memref<16384xi32, #tpu.memory_space<hbm>>, %arg5: memref<16384xi32, #tpu.memory_space<hbm>>, %arg6: memref<8192x128xf32, #tpu.memory_space<hbm>>, %arg7: memref<8192x128xf32, #tpu.memory_space<hbm>>, %arg8: memref<256xi32, #tpu.memory_space<vmem>>, %arg9: memref<256xi32, #tpu.memory_space<vmem>>, %arg10: memref<2x128x128xf32, #tpu.memory_space<vmem>>, %arg11: memref<2x128x128xf32, #tpu.memory_space<vmem>>, %arg12: memref<!tpu.dma_semaphore, #tpu.memory_space<semaphore_mem>>, %arg13: memref<!tpu.dma_semaphore, #tpu.memory_space<semaphore_mem>>, %arg14: memref<!tpu.dma_semaphore, #tpu.memory_space<semaphore_mem>>, %arg15: memref<!tpu.dma_semaphore, #tpu.memory_space<semaphore_mem>>, %arg16: memref<!tpu.dma_semaphore, #tpu.memory_space<semaphore_mem>>, %arg17: memref<!tpu.dma_semaphore, #tpu.memory_space<semaphore_mem>>, %arg18: memref<!tpu.dma_semaphore, #tpu.memory_space<semaphore_mem>>, %arg19: memref<!tpu.dma_semaphore, #tpu.memory_space<semaphore_mem>>, %arg20: memref<!tpu.dma_semaphore, #tpu.memory_space<semaphore_mem>>, %arg21: memref<!tpu.dma_semaphore, #tpu.memory_space<semaphore_mem>>, %arg22: memref<!tpu.dma_semaphore, #tpu.memory_space<semaphore_mem>>, %arg23: memref<!tpu.dma_semaphore, #tpu.memory_space<semaphore_mem>>, %arg24: memref<!tpu.dma_semaphore, #tpu.memory_space<semaphore_mem>>, %arg25: memref<!tpu.dma_semaphore, #tpu.memory_space<semaphore_mem>>, %arg26: memref<!tpu.dma_semaphore, #tpu.memory_space<semaphore_mem>>, %arg27: memref<!tpu.dma_semaphore, #tpu.memory_space<semaphore_mem>>) attributes {dimension_semantics = [#tpu.dimension_semantics<core_parallel>, #tpu.dimension_semantics<subcore_parallel>], iteration_bounds = array<i64: 2, 16>, scalar_prefetch = 0 : i64, scratch_operands = 20 : i64, tpu.core_type = #tpu.core_type<sc_vector_subcore>, window_params = [{transform_indices = #map}, {transform_indices = #map}, {transform_indices = #map1}, {transform_indices = #map1}, {transform_indices = #map}, {transform_indices = #map}]} {
    %mul3A = arith.constant 2 : i32
    %mul3A_0 = arith.muli %arg1, %mul3A : i32
    %add3A = arith.addi %mul3A_0, %arg0 : i32
    %mul3A_1 = arith.constant 256 : i32
    %mul3A_2 = arith.muli %add3A, %mul3A_1 : i32
    %add3A_3 = arith.constant 0 : i32
    %add3A_4 = arith.addi %add3A_3, %mul3A_2 : i32
    "tpu.region"() ({
      %run_scoped3A = tpu.sem_alloc : memref<!tpu.dma_semaphore, #tpu.memory_space<semaphore_mem>>
      %dma_start3A_193 = tpu.memref_slice %arg4[%add3A_4] : memref<16384xi32, #tpu.memory_space<hbm>> -> memref<256xi32, #tpu.memory_space<hbm>>
      %dma_start3A_194 = tpu.memref_slice %arg4[%add3A_4] : memref<16384xi32, #tpu.memory_space<hbm>> -> memref<256xi32, #tpu.memory_space<hbm>>
      tpu.enqueue_dma source(%dma_start3A_194 : memref<256xi32, #tpu.memory_space<hbm>>) target(%arg8 : memref<256xi32, #tpu.memory_space<vmem>>) target_semaphore(%run_scoped3A : memref<!tpu.dma_semaphore, #tpu.memory_space<semaphore_mem>>)
      %dma_wait3A_195 = tpu.memref_slice %arg4[%add3A_4] : memref<16384xi32, #tpu.memory_space<hbm>> -> memref<256xi32, #tpu.memory_space<hbm>>
      %dma_wait3A_196 = tpu.memref_slice %arg4[%add3A_4] : memref<16384xi32, #tpu.memory_space<hbm>> -> memref<256xi32, #tpu.memory_space<hbm>>
      tpu.wait_dma2 semaphore(%run_scoped3A : memref<!tpu.dma_semaphore, #tpu.memory_space<semaphore_mem>>) src(%dma_wait3A_196 : memref<256xi32, #tpu.memory_space<hbm>>) dst(%arg8 : memref<256xi32, #tpu.memory_space<vmem>>)
      tpu.yield
    }) : () -> ()
    %add3A_5 = arith.constant 0 : i32
    %add3A_6 = arith.addi %add3A_5, %mul3A_2 : i32
    "tpu.region"() ({
      %run_scoped3A = tpu.sem_alloc : memref<!tpu.dma_semaphore, #tpu.memory_space<semaphore_mem>>
      %dma_start3A_193 = tpu.memref_slice %arg5[%add3A_6] : memref<16384xi32, #tpu.memory_space<hbm>> -> memref<256xi32, #tpu.memory_space<hbm>>
      %dma_start3A_194 = tpu.memref_slice %arg5[%add3A_6] : memref<16384xi32, #tpu.memory_space<hbm>> -> memref<256xi32, #tpu.memory_space<hbm>>
      tpu.enqueue_dma source(%dma_start3A_194 : memref<256xi32, #tpu.memory_space<hbm>>) target(%arg9 : memref<256xi32, #tpu.memory_space<vmem>>) target_semaphore(%run_scoped3A : memref<!tpu.dma_semaphore, #tpu.memory_space<semaphore_mem>>)
      %dma_wait3A_195 = tpu.memref_slice %arg5[%add3A_6] : memref<16384xi32, #tpu.memory_space<hbm>> -> memref<256xi32, #tpu.memory_space<hbm>>
      %dma_wait3A_196 = tpu.memref_slice %arg5[%add3A_6] : memref<16384xi32, #tpu.memory_space<hbm>> -> memref<256xi32, #tpu.memory_space<hbm>>
      tpu.wait_dma2 semaphore(%run_scoped3A : memref<!tpu.dma_semaphore, #tpu.memory_space<semaphore_mem>>) src(%dma_wait3A_196 : memref<256xi32, #tpu.memory_space<hbm>>) dst(%arg9 : memref<256xi32, #tpu.memory_space<vmem>>)
      tpu.yield
    }) : () -> ()
    %dma_start3A = arith.constant 0 : i32
    %dma_start3A_7 = arith.constant 0 : i32
    %dma_start3A_8 = arith.constant 0 : i32
    %dma_start3A_9 = tpu.memref_slice %arg10[%dma_start3A, %dma_start3A_7, %dma_start3A_8] : memref<2x128x128xf32, #tpu.memory_space<vmem>> -> memref<1x128x128xf32, #tpu.memory_space<vmem>>
    %dma_start3A_10 = tpu.memref_squeeze %dma_start3A_9 : memref<1x128x128xf32, #tpu.memory_space<vmem>> -> memref<128x128xf32, #tpu.memory_space<vmem>>
    %dma_start3A_11 = arith.constant 0 : i32
    %dma_start3A_12 = tpu.memref_slice %arg8[%dma_start3A_11] : memref<256xi32, #tpu.memory_space<vmem>> -> memref<128xi32, #tpu.memory_space<vmem>>
    %dma_start3A_13 = arith.constant 0 : i32
    %dma_start3A_14 = arith.constant 0 : i32
    %dma_start3A_15 = tpu.memref_slice %arg2[%dma_start3A_13, %dma_start3A_14] : memref<100000x128xf32, #tpu.memory_space<hbm>> -> memref<100000x128xf32, #tpu.memory_space<hbm>>
    tpu.enqueue_indirect_dma source(%dma_start3A_15 : memref<100000x128xf32, #tpu.memory_space<hbm>>) target(%dma_start3A_10 : memref<128x128xf32, #tpu.memory_space<vmem>>) offsets(%dma_start3A_12 : memref<128xi32, #tpu.memory_space<vmem>>) semaphore(%arg12 : memref<!tpu.dma_semaphore, #tpu.memory_space<semaphore_mem>>)
    %dma_start3A_16 = arith.constant 0 : i32
    %dma_start3A_17 = arith.constant 0 : i32
    %dma_start3A_18 = arith.constant 0 : i32
    %dma_start3A_19 = tpu.memref_slice %arg11[%dma_start3A_16, %dma_start3A_17, %dma_start3A_18] : memref<2x128x128xf32, #tpu.memory_space<vmem>> -> memref<1x128x128xf32, #tpu.memory_space<vmem>>
    %dma_start3A_20 = tpu.memref_squeeze %dma_start3A_19 : memref<1x128x128xf32, #tpu.memory_space<vmem>> -> memref<128x128xf32, #tpu.memory_space<vmem>>
    %dma_start3A_21 = arith.constant 0 : i32
    %dma_start3A_22 = tpu.memref_slice %arg9[%dma_start3A_21] : memref<256xi32, #tpu.memory_space<vmem>> -> memref<128xi32, #tpu.memory_space<vmem>>
    %dma_start3A_23 = arith.constant 0 : i32
    %dma_start3A_24 = arith.constant 0 : i32
    %dma_start3A_25 = tpu.memref_slice %arg3[%dma_start3A_23, %dma_start3A_24] : memref<100000x128xf32, #tpu.memory_space<hbm>> -> memref<100000x128xf32, #tpu.memory_space<hbm>>
    tpu.enqueue_indirect_dma source(%dma_start3A_25 : memref<100000x128xf32, #tpu.memory_space<hbm>>) target(%dma_start3A_20 : memref<128x128xf32, #tpu.memory_space<vmem>>) offsets(%dma_start3A_22 : memref<128xi32, #tpu.memory_space<vmem>>) semaphore(%arg16 : memref<!tpu.dma_semaphore, #tpu.memory_space<semaphore_mem>>)
    %dma_start3A_26 = arith.constant 1 : i32
    %dma_start3A_27 = arith.constant 0 : i32
    %dma_start3A_28 = arith.constant 0 : i32
    %dma_start3A_29 = tpu.memref_slice %arg10[%dma_start3A_26, %dma_start3A_27, %dma_start3A_28] : memref<2x128x128xf32, #tpu.memory_space<vmem>> -> memref<1x128x128xf32, #tpu.memory_space<vmem>>
    %dma_start3A_30 = tpu.memref_squeeze %dma_start3A_29 : memref<1x128x128xf32, #tpu.memory_space<vmem>> -> memref<128x128xf32, #tpu.memory_space<vmem>>
    %dma_start3A_31 = arith.constant 128 : i32
    %dma_start3A_32 = tpu.memref_slice %arg8[%dma_start3A_31] : memref<256xi32, #tpu.memory_space<vmem>> -> memref<128xi32, #tpu.memory_space<vmem>>
    %dma_start3A_33 = arith.constant 0 : i32
    %dma_start3A_34 = arith.constant 0 : i32
    %dma_start3A_35 = tpu.memref_slice %arg2[%dma_start3A_33, %dma_start3A_34] : memref<100000x128xf32, #tpu.memory_space<hbm>> -> memref<100000x128xf32, #tpu.memory_space<hbm>>
    tpu.enqueue_indirect_dma source(%dma_start3A_35 : memref<100000x128xf32, #tpu.memory_space<hbm>>) target(%dma_start3A_30 : memref<128x128xf32, #tpu.memory_space<vmem>>) offsets(%dma_start3A_32 : memref<128xi32, #tpu.memory_space<vmem>>) semaphore(%arg13 : memref<!tpu.dma_semaphore, #tpu.memory_space<semaphore_mem>>)
    %dma_start3A_36 = arith.constant 1 : i32
    %dma_start3A_37 = arith.constant 0 : i32
    %dma_start3A_38 = arith.constant 0 : i32
    %dma_start3A_39 = tpu.memref_slice %arg11[%dma_start3A_36, %dma_start3A_37, %dma_start3A_38] : memref<2x128x128xf32, #tpu.memory_space<vmem>> -> memref<1x128x128xf32, #tpu.memory_space<vmem>>
    %dma_start3A_40 = tpu.memref_squeeze %dma_start3A_39 : memref<1x128x128xf32, #tpu.memory_space<vmem>> -> memref<128x128xf32, #tpu.memory_space<vmem>>
    %dma_start3A_41 = arith.constant 128 : i32
    %dma_start3A_42 = tpu.memref_slice %arg9[%dma_start3A_41] : memref<256xi32, #tpu.memory_space<vmem>> -> memref<128xi32, #tpu.memory_space<vmem>>
    %dma_start3A_43 = arith.constant 0 : i32
    %dma_start3A_44 = arith.constant 0 : i32
    %dma_start3A_45 = tpu.memref_slice %arg3[%dma_start3A_43, %dma_start3A_44] : memref<100000x128xf32, #tpu.memory_space<hbm>> -> memref<100000x128xf32, #tpu.memory_space<hbm>>
    tpu.enqueue_indirect_dma source(%dma_start3A_45 : memref<100000x128xf32, #tpu.memory_space<hbm>>) target(%dma_start3A_40 : memref<128x128xf32, #tpu.memory_space<vmem>>) offsets(%dma_start3A_42 : memref<128xi32, #tpu.memory_space<vmem>>) semaphore(%arg17 : memref<!tpu.dma_semaphore, #tpu.memory_space<semaphore_mem>>)
    %dma_wait3A = arith.constant 0 : i32
    %dma_wait3A_46 = arith.constant 0 : i32
    %dma_wait3A_47 = arith.constant 0 : i32
    %dma_wait3A_48 = tpu.memref_slice %arg10[%dma_wait3A, %dma_wait3A_46, %dma_wait3A_47] : memref<2x128x128xf32, #tpu.memory_space<vmem>> -> memref<1x128x128xf32, #tpu.memory_space<vmem>>
    %dma_wait3A_49 = tpu.memref_squeeze %dma_wait3A_48 : memref<1x128x128xf32, #tpu.memory_space<vmem>> -> memref<128x128xf32, #tpu.memory_space<vmem>>
    %dma_wait3A_50 = arith.constant 0 : i32
    %dma_wait3A_51 = tpu.memref_slice %arg8[%dma_wait3A_50] : memref<256xi32, #tpu.memory_space<vmem>> -> memref<128xi32, #tpu.memory_space<vmem>>
    %dma_wait3A_52 = arith.constant 0 : i32
    %dma_wait3A_53 = arith.constant 0 : i32
    %dma_wait3A_54 = tpu.memref_slice %arg2[%dma_wait3A_52, %dma_wait3A_53] : memref<100000x128xf32, #tpu.memory_space<hbm>> -> memref<100000x128xf32, #tpu.memory_space<hbm>>
    tpu.wait_indirect_dma semaphore(%arg12 : memref<!tpu.dma_semaphore, #tpu.memory_space<semaphore_mem>>) src(%dma_wait3A_54 : memref<100000x128xf32, #tpu.memory_space<hbm>>) dst(%dma_wait3A_49 : memref<128x128xf32, #tpu.memory_space<vmem>>)
    %dma_wait3A_55 = arith.constant 0 : i32
    %dma_wait3A_56 = arith.constant 0 : i32
    %dma_wait3A_57 = arith.constant 0 : i32
    %dma_wait3A_58 = tpu.memref_slice %arg11[%dma_wait3A_55, %dma_wait3A_56, %dma_wait3A_57] : memref<2x128x128xf32, #tpu.memory_space<vmem>> -> memref<1x128x128xf32, #tpu.memory_space<vmem>>
    %dma_wait3A_59 = tpu.memref_squeeze %dma_wait3A_58 : memref<1x128x128xf32, #tpu.memory_space<vmem>> -> memref<128x128xf32, #tpu.memory_space<vmem>>
    %dma_wait3A_60 = arith.constant 0 : i32
    %dma_wait3A_61 = tpu.memref_slice %arg9[%dma_wait3A_60] : memref<256xi32, #tpu.memory_space<vmem>> -> memref<128xi32, #tpu.memory_space<vmem>>
    %dma_wait3A_62 = arith.constant 0 : i32
    %dma_wait3A_63 = arith.constant 0 : i32
    %dma_wait3A_64 = tpu.memref_slice %arg3[%dma_wait3A_62, %dma_wait3A_63] : memref<100000x128xf32, #tpu.memory_space<hbm>> -> memref<100000x128xf32, #tpu.memory_space<hbm>>
    tpu.wait_indirect_dma semaphore(%arg16 : memref<!tpu.dma_semaphore, #tpu.memory_space<semaphore_mem>>) src(%dma_wait3A_64 : memref<100000x128xf32, #tpu.memory_space<hbm>>) dst(%dma_wait3A_59 : memref<128x128xf32, #tpu.memory_space<vmem>>)
    %add3A_65 = arith.constant 0 : i32
    %add3A_66 = arith.addi %mul3A_2, %add3A_65 : i32
    %dma_start3A_67 = arith.constant 0 : i32
    %dma_start3A_68 = arith.constant 0 : i32
    %dma_start3A_69 = arith.constant 0 : i32
    %dma_start3A_70 = tpu.memref_slice %arg10[%dma_start3A_67, %dma_start3A_68, %dma_start3A_69] : memref<2x128x128xf32, #tpu.memory_space<vmem>> -> memref<1x128x128xf32, #tpu.memory_space<vmem>>
    %dma_start3A_71 = tpu.memref_squeeze %dma_start3A_70 : memref<1x128x128xf32, #tpu.memory_space<vmem>> -> memref<128x128xf32, #tpu.memory_space<vmem>>
    %dma_start3A_72 = arith.constant 0 : i32
    %dma_start3A_73 = tpu.memref_slice %arg6[%add3A_66, %dma_start3A_72] : memref<8192x128xf32, #tpu.memory_space<hbm>> -> memref<128x128xf32, #tpu.memory_space<hbm>>
    %dma_start3A_74 = arith.constant 0 : i32
    %dma_start3A_75 = tpu.memref_slice %arg6[%add3A_66, %dma_start3A_74] : memref<8192x128xf32, #tpu.memory_space<hbm>> -> memref<128x128xf32, #tpu.memory_space<hbm>>
    %dma_start3A_76 = arith.constant 0 : i32
    %dma_start3A_77 = arith.constant 0 : i32
    %dma_start3A_78 = tpu.memref_slice %arg10[%dma_start3A_67, %dma_start3A_76, %dma_start3A_77] : memref<2x128x128xf32, #tpu.memory_space<vmem>> -> memref<1x128x128xf32, #tpu.memory_space<vmem>>
    %dma_start3A_79 = tpu.memref_squeeze %dma_start3A_78 : memref<1x128x128xf32, #tpu.memory_space<vmem>> -> memref<128x128xf32, #tpu.memory_space<vmem>>
    tpu.enqueue_dma source(%dma_start3A_79 : memref<128x128xf32, #tpu.memory_space<vmem>>) target(%dma_start3A_75 : memref<128x128xf32, #tpu.memory_space<hbm>>) target_semaphore(%arg20 : memref<!tpu.dma_semaphore, #tpu.memory_space<semaphore_mem>>)
    %dma_start3A_80 = arith.constant 0 : i32
    %dma_start3A_81 = arith.constant 0 : i32
    %dma_start3A_82 = arith.constant 0 : i32
    %dma_start3A_83 = tpu.memref_slice %arg11[%dma_start3A_80, %dma_start3A_81, %dma_start3A_82] : memref<2x128x128xf32, #tpu.memory_space<vmem>> -> memref<1x128x128xf32, #tpu.memory_space<vmem>>
    %dma_start3A_84 = tpu.memref_squeeze %dma_start3A_83 : memref<1x128x128xf32, #tpu.memory_space<vmem>> -> memref<128x128xf32, #tpu.memory_space<vmem>>
    %dma_start3A_85 = arith.constant 0 : i32
    %dma_start3A_86 = tpu.memref_slice %arg7[%add3A_66, %dma_start3A_85] : memref<8192x128xf32, #tpu.memory_space<hbm>> -> memref<128x128xf32, #tpu.memory_space<hbm>>
    %dma_start3A_87 = arith.constant 0 : i32
    %dma_start3A_88 = tpu.memref_slice %arg7[%add3A_66, %dma_start3A_87] : memref<8192x128xf32, #tpu.memory_space<hbm>> -> memref<128x128xf32, #tpu.memory_space<hbm>>
    %dma_start3A_89 = arith.constant 0 : i32
    %dma_start3A_90 = arith.constant 0 : i32
    %dma_start3A_91 = tpu.memref_slice %arg11[%dma_start3A_80, %dma_start3A_89, %dma_start3A_90] : memref<2x128x128xf32, #tpu.memory_space<vmem>> -> memref<1x128x128xf32, #tpu.memory_space<vmem>>
    %dma_start3A_92 = tpu.memref_squeeze %dma_start3A_91 : memref<1x128x128xf32, #tpu.memory_space<vmem>> -> memref<128x128xf32, #tpu.memory_space<vmem>>
    tpu.enqueue_dma source(%dma_start3A_92 : memref<128x128xf32, #tpu.memory_space<vmem>>) target(%dma_start3A_88 : memref<128x128xf32, #tpu.memory_space<hbm>>) target_semaphore(%arg24 : memref<!tpu.dma_semaphore, #tpu.memory_space<semaphore_mem>>)
    %dma_wait3A_93 = arith.constant 1 : i32
    %dma_wait3A_94 = arith.constant 0 : i32
    %dma_wait3A_95 = arith.constant 0 : i32
    %dma_wait3A_96 = tpu.memref_slice %arg10[%dma_wait3A_93, %dma_wait3A_94, %dma_wait3A_95] : memref<2x128x128xf32, #tpu.memory_space<vmem>> -> memref<1x128x128xf32, #tpu.memory_space<vmem>>
    %dma_wait3A_97 = tpu.memref_squeeze %dma_wait3A_96 : memref<1x128x128xf32, #tpu.memory_space<vmem>> -> memref<128x128xf32, #tpu.memory_space<vmem>>
    %dma_wait3A_98 = arith.constant 128 : i32
    %dma_wait3A_99 = tpu.memref_slice %arg8[%dma_wait3A_98] : memref<256xi32, #tpu.memory_space<vmem>> -> memref<128xi32, #tpu.memory_space<vmem>>
    %dma_wait3A_100 = arith.constant 0 : i32
    %dma_wait3A_101 = arith.constant 0 : i32
    %dma_wait3A_102 = tpu.memref_slice %arg2[%dma_wait3A_100, %dma_wait3A_101] : memref<100000x128xf32, #tpu.memory_space<hbm>> -> memref<100000x128xf32, #tpu.memory_space<hbm>>
    tpu.wait_indirect_dma semaphore(%arg13 : memref<!tpu.dma_semaphore, #tpu.memory_space<semaphore_mem>>) src(%dma_wait3A_102 : memref<100000x128xf32, #tpu.memory_space<hbm>>) dst(%dma_wait3A_97 : memref<128x128xf32, #tpu.memory_space<vmem>>)
    %dma_wait3A_103 = arith.constant 1 : i32
    %dma_wait3A_104 = arith.constant 0 : i32
    %dma_wait3A_105 = arith.constant 0 : i32
    %dma_wait3A_106 = tpu.memref_slice %arg11[%dma_wait3A_103, %dma_wait3A_104, %dma_wait3A_105] : memref<2x128x128xf32, #tpu.memory_space<vmem>> -> memref<1x128x128xf32, #tpu.memory_space<vmem>>
    %dma_wait3A_107 = tpu.memref_squeeze %dma_wait3A_106 : memref<1x128x128xf32, #tpu.memory_space<vmem>> -> memref<128x128xf32, #tpu.memory_space<vmem>>
    %dma_wait3A_108 = arith.constant 128 : i32
    %dma_wait3A_109 = tpu.memref_slice %arg9[%dma_wait3A_108] : memref<256xi32, #tpu.memory_space<vmem>> -> memref<128xi32, #tpu.memory_space<vmem>>
    %dma_wait3A_110 = arith.constant 0 : i32
    %dma_wait3A_111 = arith.constant 0 : i32
    %dma_wait3A_112 = tpu.memref_slice %arg3[%dma_wait3A_110, %dma_wait3A_111] : memref<100000x128xf32, #tpu.memory_space<hbm>> -> memref<100000x128xf32, #tpu.memory_space<hbm>>
    tpu.wait_indirect_dma semaphore(%arg17 : memref<!tpu.dma_semaphore, #tpu.memory_space<semaphore_mem>>) src(%dma_wait3A_112 : memref<100000x128xf32, #tpu.memory_space<hbm>>) dst(%dma_wait3A_107 : memref<128x128xf32, #tpu.memory_space<vmem>>)
    %add3A_113 = arith.constant 128 : i32
    %add3A_114 = arith.addi %mul3A_2, %add3A_113 : i32
    %dma_start3A_115 = arith.constant 1 : i32
    %dma_start3A_116 = arith.constant 0 : i32
    %dma_start3A_117 = arith.constant 0 : i32
    %dma_start3A_118 = tpu.memref_slice %arg10[%dma_start3A_115, %dma_start3A_116, %dma_start3A_117] : memref<2x128x128xf32, #tpu.memory_space<vmem>> -> memref<1x128x128xf32, #tpu.memory_space<vmem>>
    %dma_start3A_119 = tpu.memref_squeeze %dma_start3A_118 : memref<1x128x128xf32, #tpu.memory_space<vmem>> -> memref<128x128xf32, #tpu.memory_space<vmem>>
    %dma_start3A_120 = arith.constant 0 : i32
    %dma_start3A_121 = tpu.memref_slice %arg6[%add3A_114, %dma_start3A_120] : memref<8192x128xf32, #tpu.memory_space<hbm>> -> memref<128x128xf32, #tpu.memory_space<hbm>>
    %dma_start3A_122 = arith.constant 0 : i32
    %dma_start3A_123 = tpu.memref_slice %arg6[%add3A_114, %dma_start3A_122] : memref<8192x128xf32, #tpu.memory_space<hbm>> -> memref<128x128xf32, #tpu.memory_space<hbm>>
    %dma_start3A_124 = arith.constant 0 : i32
    %dma_start3A_125 = arith.constant 0 : i32
    %dma_start3A_126 = tpu.memref_slice %arg10[%dma_start3A_115, %dma_start3A_124, %dma_start3A_125] : memref<2x128x128xf32, #tpu.memory_space<vmem>> -> memref<1x128x128xf32, #tpu.memory_space<vmem>>
    %dma_start3A_127 = tpu.memref_squeeze %dma_start3A_126 : memref<1x128x128xf32, #tpu.memory_space<vmem>> -> memref<128x128xf32, #tpu.memory_space<vmem>>
    tpu.enqueue_dma source(%dma_start3A_127 : memref<128x128xf32, #tpu.memory_space<vmem>>) target(%dma_start3A_123 : memref<128x128xf32, #tpu.memory_space<hbm>>) target_semaphore(%arg21 : memref<!tpu.dma_semaphore, #tpu.memory_space<semaphore_mem>>)
    %dma_start3A_128 = arith.constant 1 : i32
    %dma_start3A_129 = arith.constant 0 : i32
    %dma_start3A_130 = arith.constant 0 : i32
    %dma_start3A_131 = tpu.memref_slice %arg11[%dma_start3A_128, %dma_start3A_129, %dma_start3A_130] : memref<2x128x128xf32, #tpu.memory_space<vmem>> -> memref<1x128x128xf32, #tpu.memory_space<vmem>>
    %dma_start3A_132 = tpu.memref_squeeze %dma_start3A_131 : memref<1x128x128xf32, #tpu.memory_space<vmem>> -> memref<128x128xf32, #tpu.memory_space<vmem>>
    %dma_start3A_133 = arith.constant 0 : i32
    %dma_start3A_134 = tpu.memref_slice %arg7[%add3A_114, %dma_start3A_133] : memref<8192x128xf32, #tpu.memory_space<hbm>> -> memref<128x128xf32, #tpu.memory_space<hbm>>
    %dma_start3A_135 = arith.constant 0 : i32
    %dma_start3A_136 = tpu.memref_slice %arg7[%add3A_114, %dma_start3A_135] : memref<8192x128xf32, #tpu.memory_space<hbm>> -> memref<128x128xf32, #tpu.memory_space<hbm>>
    %dma_start3A_137 = arith.constant 0 : i32
    %dma_start3A_138 = arith.constant 0 : i32
    %dma_start3A_139 = tpu.memref_slice %arg11[%dma_start3A_128, %dma_start3A_137, %dma_start3A_138] : memref<2x128x128xf32, #tpu.memory_space<vmem>> -> memref<1x128x128xf32, #tpu.memory_space<vmem>>
    %dma_start3A_140 = tpu.memref_squeeze %dma_start3A_139 : memref<1x128x128xf32, #tpu.memory_space<vmem>> -> memref<128x128xf32, #tpu.memory_space<vmem>>
    tpu.enqueue_dma source(%dma_start3A_140 : memref<128x128xf32, #tpu.memory_space<vmem>>) target(%dma_start3A_136 : memref<128x128xf32, #tpu.memory_space<hbm>>) target_semaphore(%arg25 : memref<!tpu.dma_semaphore, #tpu.memory_space<semaphore_mem>>)
    %dma_wait3A_141 = arith.constant 0 : i32
    %dma_wait3A_142 = arith.constant 0 : i32
    %dma_wait3A_143 = arith.constant 0 : i32
    %dma_wait3A_144 = tpu.memref_slice %arg10[%dma_wait3A_141, %dma_wait3A_142, %dma_wait3A_143] : memref<2x128x128xf32, #tpu.memory_space<vmem>> -> memref<1x128x128xf32, #tpu.memory_space<vmem>>
    %dma_wait3A_145 = tpu.memref_squeeze %dma_wait3A_144 : memref<1x128x128xf32, #tpu.memory_space<vmem>> -> memref<128x128xf32, #tpu.memory_space<vmem>>
    %dma_wait3A_146 = arith.constant 0 : i32
    %dma_wait3A_147 = tpu.memref_slice %arg6[%add3A_66, %dma_wait3A_146] : memref<8192x128xf32, #tpu.memory_space<hbm>> -> memref<128x128xf32, #tpu.memory_space<hbm>>
    %dma_wait3A_148 = arith.constant 0 : i32
    %dma_wait3A_149 = tpu.memref_slice %arg6[%add3A_66, %dma_wait3A_148] : memref<8192x128xf32, #tpu.memory_space<hbm>> -> memref<128x128xf32, #tpu.memory_space<hbm>>
    %dma_wait3A_150 = arith.constant 0 : i32
    %dma_wait3A_151 = arith.constant 0 : i32
    %dma_wait3A_152 = tpu.memref_slice %arg10[%dma_wait3A_141, %dma_wait3A_150, %dma_wait3A_151] : memref<2x128x128xf32, #tpu.memory_space<vmem>> -> memref<1x128x128xf32, #tpu.memory_space<vmem>>
    %dma_wait3A_153 = tpu.memref_squeeze %dma_wait3A_152 : memref<1x128x128xf32, #tpu.memory_space<vmem>> -> memref<128x128xf32, #tpu.memory_space<vmem>>
    tpu.wait_dma2 semaphore(%arg20 : memref<!tpu.dma_semaphore, #tpu.memory_space<semaphore_mem>>) src(%dma_wait3A_153 : memref<128x128xf32, #tpu.memory_space<vmem>>) dst(%dma_wait3A_149 : memref<128x128xf32, #tpu.memory_space<hbm>>)
    %dma_wait3A_154 = arith.constant 0 : i32
    %dma_wait3A_155 = arith.constant 0 : i32
    %dma_wait3A_156 = arith.constant 0 : i32
    %dma_wait3A_157 = tpu.memref_slice %arg11[%dma_wait3A_154, %dma_wait3A_155, %dma_wait3A_156] : memref<2x128x128xf32, #tpu.memory_space<vmem>> -> memref<1x128x128xf32, #tpu.memory_space<vmem>>
    %dma_wait3A_158 = tpu.memref_squeeze %dma_wait3A_157 : memref<1x128x128xf32, #tpu.memory_space<vmem>> -> memref<128x128xf32, #tpu.memory_space<vmem>>
    %dma_wait3A_159 = arith.constant 0 : i32
    %dma_wait3A_160 = tpu.memref_slice %arg7[%add3A_66, %dma_wait3A_159] : memref<8192x128xf32, #tpu.memory_space<hbm>> -> memref<128x128xf32, #tpu.memory_space<hbm>>
    %dma_wait3A_161 = arith.constant 0 : i32
    %dma_wait3A_162 = tpu.memref_slice %arg7[%add3A_66, %dma_wait3A_161] : memref<8192x128xf32, #tpu.memory_space<hbm>> -> memref<128x128xf32, #tpu.memory_space<hbm>>
    %dma_wait3A_163 = arith.constant 0 : i32
    %dma_wait3A_164 = arith.constant 0 : i32
    %dma_wait3A_165 = tpu.memref_slice %arg11[%dma_wait3A_154, %dma_wait3A_163, %dma_wait3A_164] : memref<2x128x128xf32, #tpu.memory_space<vmem>> -> memref<1x128x128xf32, #tpu.memory_space<vmem>>
    %dma_wait3A_166 = tpu.memref_squeeze %dma_wait3A_165 : memref<1x128x128xf32, #tpu.memory_space<vmem>> -> memref<128x128xf32, #tpu.memory_space<vmem>>
    tpu.wait_dma2 semaphore(%arg24 : memref<!tpu.dma_semaphore, #tpu.memory_space<semaphore_mem>>) src(%dma_wait3A_166 : memref<128x128xf32, #tpu.memory_space<vmem>>) dst(%dma_wait3A_162 : memref<128x128xf32, #tpu.memory_space<hbm>>)
    %dma_wait3A_167 = arith.constant 1 : i32
    %dma_wait3A_168 = arith.constant 0 : i32
    %dma_wait3A_169 = arith.constant 0 : i32
    %dma_wait3A_170 = tpu.memref_slice %arg10[%dma_wait3A_167, %dma_wait3A_168, %dma_wait3A_169] : memref<2x128x128xf32, #tpu.memory_space<vmem>> -> memref<1x128x128xf32, #tpu.memory_space<vmem>>
    %dma_wait3A_171 = tpu.memref_squeeze %dma_wait3A_170 : memref<1x128x128xf32, #tpu.memory_space<vmem>> -> memref<128x128xf32, #tpu.memory_space<vmem>>
    %dma_wait3A_172 = arith.constant 0 : i32
    %dma_wait3A_173 = tpu.memref_slice %arg6[%add3A_114, %dma_wait3A_172] : memref<8192x128xf32, #tpu.memory_space<hbm>> -> memref<128x128xf32, #tpu.memory_space<hbm>>
    %dma_wait3A_174 = arith.constant 0 : i32
    %dma_wait3A_175 = tpu.memref_slice %arg6[%add3A_114, %dma_wait3A_174] : memref<8192x128xf32, #tpu.memory_space<hbm>> -> memref<128x128xf32, #tpu.memory_space<hbm>>
    %dma_wait3A_176 = arith.constant 0 : i32
    %dma_wait3A_177 = arith.constant 0 : i32
    %dma_wait3A_178 = tpu.memref_slice %arg10[%dma_wait3A_167, %dma_wait3A_176, %dma_wait3A_177] : memref<2x128x128xf32, #tpu.memory_space<vmem>> -> memref<1x128x128xf32, #tpu.memory_space<vmem>>
    %dma_wait3A_179 = tpu.memref_squeeze %dma_wait3A_178 : memref<1x128x128xf32, #tpu.memory_space<vmem>> -> memref<128x128xf32, #tpu.memory_space<vmem>>
    tpu.wait_dma2 semaphore(%arg21 : memref<!tpu.dma_semaphore, #tpu.memory_space<semaphore_mem>>) src(%dma_wait3A_179 : memref<128x128xf32, #tpu.memory_space<vmem>>) dst(%dma_wait3A_175 : memref<128x128xf32, #tpu.memory_space<hbm>>)
    %dma_wait3A_180 = arith.constant 1 : i32
    %dma_wait3A_181 = arith.constant 0 : i32
    %dma_wait3A_182 = arith.constant 0 : i32
    %dma_wait3A_183 = tpu.memref_slice %arg11[%dma_wait3A_180, %dma_wait3A_181, %dma_wait3A_182] : memref<2x128x128xf32, #tpu.memory_space<vmem>> -> memref<1x128x128xf32, #tpu.memory_space<vmem>>
    %dma_wait3A_184 = tpu.memref_squeeze %dma_wait3A_183 : memref<1x128x128xf32, #tpu.memory_space<vmem>> -> memref<128x128xf32, #tpu.memory_space<vmem>>
    %dma_wait3A_185 = arith.constant 0 : i32
    %dma_wait3A_186 = tpu.memref_slice %arg7[%add3A_114, %dma_wait3A_185] : memref<8192x128xf32, #tpu.memory_space<hbm>> -> memref<128x128xf32, #tpu.memory_space<hbm>>
    %dma_wait3A_187 = arith.constant 0 : i32
    %dma_wait3A_188 = tpu.memref_slice %arg7[%add3A_114, %dma_wait3A_187] : memref<8192x128xf32, #tpu.memory_space<hbm>> -> memref<128x128xf32, #tpu.memory_space<hbm>>
    %dma_wait3A_189 = arith.constant 0 : i32
    %dma_wait3A_190 = arith.constant 0 : i32
    %dma_wait3A_191 = tpu.memref_slice %arg11[%dma_wait3A_180, %dma_wait3A_189, %dma_wait3A_190] : memref<2x128x128xf32, #tpu.memory_space<vmem>> -> memref<1x128x128xf32, #tpu.memory_space<vmem>>
    %dma_wait3A_192 = tpu.memref_squeeze %dma_wait3A_191 : memref<1x128x128xf32, #tpu.memory_space<vmem>> -> memref<128x128xf32, #tpu.memory_space<vmem>>
    tpu.wait_dma2 semaphore(%arg25 : memref<!tpu.dma_semaphore, #tpu.memory_space<semaphore_mem>>) src(%dma_wait3A_192 : memref<128x128xf32, #tpu.memory_space<vmem>>) dst(%dma_wait3A_188 : memref<128x128xf32, #tpu.memory_space<hbm>>)
    return
  }
}

#map = affine_map<(d0, d1) -> (0, 0)>
#map1 = affine_map<(d0, d1) -> (0)>
module attributes {stable_mosaic.version = 14 : i64} {
  func.func @body(%arg0: i32, %arg1: i32, %arg2: memref<100000x128xf32, #tpu.memory_space<hbm>>, %arg3: memref<100000x128xf32, #tpu.memory_space<hbm>>, %arg4: memref<16384xi32, #tpu.memory_space<hbm>>, %arg5: memref<16384xi32, #tpu.memory_space<hbm>>, %arg6: memref<8192x128xf32, #tpu.memory_space<hbm>>, %arg7: memref<8192x128xf32, #tpu.memory_space<hbm>>, %arg8: memref<256xi32, #tpu.memory_space<vmem>>, %arg9: memref<256xi32, #tpu.memory_space<vmem>>, %arg10: memref<2x128x128xf32, #tpu.memory_space<vmem>>, %arg11: memref<2x128x128xf32, #tpu.memory_space<vmem>>, %arg12: memref<!tpu.dma_semaphore, #tpu.memory_space<semaphore_mem>>, %arg13: memref<!tpu.dma_semaphore, #tpu.memory_space<semaphore_mem>>, %arg14: memref<!tpu.dma_semaphore, #tpu.memory_space<semaphore_mem>>, %arg15: memref<!tpu.dma_semaphore, #tpu.memory_space<semaphore_mem>>, %arg16: memref<!tpu.dma_semaphore, #tpu.memory_space<semaphore_mem>>, %arg17: memref<!tpu.dma_semaphore, #tpu.memory_space<semaphore_mem>>, %arg18: memref<!tpu.dma_semaphore, #tpu.memory_space<semaphore_mem>>, %arg19: memref<!tpu.dma_semaphore, #tpu.memory_space<semaphore_mem>>, %arg20: memref<!tpu.dma_semaphore, #tpu.memory_space<semaphore_mem>>, %arg21: memref<!tpu.dma_semaphore, #tpu.memory_space<semaphore_mem>>, %arg22: memref<!tpu.dma_semaphore, #tpu.memory_space<semaphore_mem>>, %arg23: memref<!tpu.dma_semaphore, #tpu.memory_space<semaphore_mem>>, %arg24: memref<!tpu.dma_semaphore, #tpu.memory_space<semaphore_mem>>, %arg25: memref<!tpu.dma_semaphore, #tpu.memory_space<semaphore_mem>>, %arg26: memref<!tpu.dma_semaphore, #tpu.memory_space<semaphore_mem>>, %arg27: memref<!tpu.dma_semaphore, #tpu.memory_space<semaphore_mem>>) attributes {dimension_semantics = [#tpu.dimension_semantics<core_parallel>, #tpu.dimension_semantics<subcore_parallel>], iteration_bounds = array<i64: 2, 16>, scalar_prefetch = 0 : i64, scratch_operands = 20 : i64, tpu.core_type = #tpu.core_type<sc_vector_subcore>, window_params = [{transform_indices = #map}, {transform_indices = #map}, {transform_indices = #map1}, {transform_indices = #map1}, {transform_indices = #map}, {transform_indices = #map}]} {
    %mul3A = arith.constant 2 : i32
    %mul3A_0 = arith.muli %arg1, %mul3A : i32
    %add3A = arith.addi %mul3A_0, %arg0 : i32
    %mul3A_1 = arith.constant 256 : i32
    %mul3A_2 = arith.muli %add3A, %mul3A_1 : i32
    %add3A_3 = arith.constant 8192 : i32
    %add3A_4 = arith.addi %add3A_3, %mul3A_2 : i32
    "tpu.region"() ({
      %run_scoped3A = tpu.sem_alloc : memref<!tpu.dma_semaphore, #tpu.memory_space<semaphore_mem>>
      %dma_start3A_193 = tpu.memref_slice %arg4[%add3A_4] : memref<16384xi32, #tpu.memory_space<hbm>> -> memref<256xi32, #tpu.memory_space<hbm>>
      %dma_start3A_194 = tpu.memref_slice %arg4[%add3A_4] : memref<16384xi32, #tpu.memory_space<hbm>> -> memref<256xi32, #tpu.memory_space<hbm>>
      tpu.enqueue_dma source(%dma_start3A_194 : memref<256xi32, #tpu.memory_space<hbm>>) target(%arg8 : memref<256xi32, #tpu.memory_space<vmem>>) target_semaphore(%run_scoped3A : memref<!tpu.dma_semaphore, #tpu.memory_space<semaphore_mem>>)
      %dma_wait3A_195 = tpu.memref_slice %arg4[%add3A_4] : memref<16384xi32, #tpu.memory_space<hbm>> -> memref<256xi32, #tpu.memory_space<hbm>>
      %dma_wait3A_196 = tpu.memref_slice %arg4[%add3A_4] : memref<16384xi32, #tpu.memory_space<hbm>> -> memref<256xi32, #tpu.memory_space<hbm>>
      tpu.wait_dma2 semaphore(%run_scoped3A : memref<!tpu.dma_semaphore, #tpu.memory_space<semaphore_mem>>) src(%dma_wait3A_196 : memref<256xi32, #tpu.memory_space<hbm>>) dst(%arg8 : memref<256xi32, #tpu.memory_space<vmem>>)
      tpu.yield
    }) : () -> ()
    %add3A_5 = arith.constant 8192 : i32
    %add3A_6 = arith.addi %add3A_5, %mul3A_2 : i32
    "tpu.region"() ({
      %run_scoped3A = tpu.sem_alloc : memref<!tpu.dma_semaphore, #tpu.memory_space<semaphore_mem>>
      %dma_start3A_193 = tpu.memref_slice %arg5[%add3A_6] : memref<16384xi32, #tpu.memory_space<hbm>> -> memref<256xi32, #tpu.memory_space<hbm>>
      %dma_start3A_194 = tpu.memref_slice %arg5[%add3A_6] : memref<16384xi32, #tpu.memory_space<hbm>> -> memref<256xi32, #tpu.memory_space<hbm>>
      tpu.enqueue_dma source(%dma_start3A_194 : memref<256xi32, #tpu.memory_space<hbm>>) target(%arg9 : memref<256xi32, #tpu.memory_space<vmem>>) target_semaphore(%run_scoped3A : memref<!tpu.dma_semaphore, #tpu.memory_space<semaphore_mem>>)
      %dma_wait3A_195 = tpu.memref_slice %arg5[%add3A_6] : memref<16384xi32, #tpu.memory_space<hbm>> -> memref<256xi32, #tpu.memory_space<hbm>>
      %dma_wait3A_196 = tpu.memref_slice %arg5[%add3A_6] : memref<16384xi32, #tpu.memory_space<hbm>> -> memref<256xi32, #tpu.memory_space<hbm>>
      tpu.wait_dma2 semaphore(%run_scoped3A : memref<!tpu.dma_semaphore, #tpu.memory_space<semaphore_mem>>) src(%dma_wait3A_196 : memref<256xi32, #tpu.memory_space<hbm>>) dst(%arg9 : memref<256xi32, #tpu.memory_space<vmem>>)
      tpu.yield
    }) : () -> ()
    %dma_start3A = arith.constant 0 : i32
    %dma_start3A_7 = arith.constant 0 : i32
    %dma_start3A_8 = arith.constant 0 : i32
    %dma_start3A_9 = tpu.memref_slice %arg10[%dma_start3A, %dma_start3A_7, %dma_start3A_8] : memref<2x128x128xf32, #tpu.memory_space<vmem>> -> memref<1x128x128xf32, #tpu.memory_space<vmem>>
    %dma_start3A_10 = tpu.memref_squeeze %dma_start3A_9 : memref<1x128x128xf32, #tpu.memory_space<vmem>> -> memref<128x128xf32, #tpu.memory_space<vmem>>
    %dma_start3A_11 = arith.constant 0 : i32
    %dma_start3A_12 = tpu.memref_slice %arg8[%dma_start3A_11] : memref<256xi32, #tpu.memory_space<vmem>> -> memref<128xi32, #tpu.memory_space<vmem>>
    %dma_start3A_13 = arith.constant 0 : i32
    %dma_start3A_14 = arith.constant 0 : i32
    %dma_start3A_15 = tpu.memref_slice %arg2[%dma_start3A_13, %dma_start3A_14] : memref<100000x128xf32, #tpu.memory_space<hbm>> -> memref<100000x128xf32, #tpu.memory_space<hbm>>
    tpu.enqueue_indirect_dma source(%dma_start3A_15 : memref<100000x128xf32, #tpu.memory_space<hbm>>) target(%dma_start3A_10 : memref<128x128xf32, #tpu.memory_space<vmem>>) offsets(%dma_start3A_12 : memref<128xi32, #tpu.memory_space<vmem>>) semaphore(%arg12 : memref<!tpu.dma_semaphore, #tpu.memory_space<semaphore_mem>>)
    %dma_start3A_16 = arith.constant 0 : i32
    %dma_start3A_17 = arith.constant 0 : i32
    %dma_start3A_18 = arith.constant 0 : i32
    %dma_start3A_19 = tpu.memref_slice %arg11[%dma_start3A_16, %dma_start3A_17, %dma_start3A_18] : memref<2x128x128xf32, #tpu.memory_space<vmem>> -> memref<1x128x128xf32, #tpu.memory_space<vmem>>
    %dma_start3A_20 = tpu.memref_squeeze %dma_start3A_19 : memref<1x128x128xf32, #tpu.memory_space<vmem>> -> memref<128x128xf32, #tpu.memory_space<vmem>>
    %dma_start3A_21 = arith.constant 0 : i32
    %dma_start3A_22 = tpu.memref_slice %arg9[%dma_start3A_21] : memref<256xi32, #tpu.memory_space<vmem>> -> memref<128xi32, #tpu.memory_space<vmem>>
    %dma_start3A_23 = arith.constant 0 : i32
    %dma_start3A_24 = arith.constant 0 : i32
    %dma_start3A_25 = tpu.memref_slice %arg3[%dma_start3A_23, %dma_start3A_24] : memref<100000x128xf32, #tpu.memory_space<hbm>> -> memref<100000x128xf32, #tpu.memory_space<hbm>>
    tpu.enqueue_indirect_dma source(%dma_start3A_25 : memref<100000x128xf32, #tpu.memory_space<hbm>>) target(%dma_start3A_20 : memref<128x128xf32, #tpu.memory_space<vmem>>) offsets(%dma_start3A_22 : memref<128xi32, #tpu.memory_space<vmem>>) semaphore(%arg16 : memref<!tpu.dma_semaphore, #tpu.memory_space<semaphore_mem>>)
    %dma_start3A_26 = arith.constant 1 : i32
    %dma_start3A_27 = arith.constant 0 : i32
    %dma_start3A_28 = arith.constant 0 : i32
    %dma_start3A_29 = tpu.memref_slice %arg10[%dma_start3A_26, %dma_start3A_27, %dma_start3A_28] : memref<2x128x128xf32, #tpu.memory_space<vmem>> -> memref<1x128x128xf32, #tpu.memory_space<vmem>>
    %dma_start3A_30 = tpu.memref_squeeze %dma_start3A_29 : memref<1x128x128xf32, #tpu.memory_space<vmem>> -> memref<128x128xf32, #tpu.memory_space<vmem>>
    %dma_start3A_31 = arith.constant 128 : i32
    %dma_start3A_32 = tpu.memref_slice %arg8[%dma_start3A_31] : memref<256xi32, #tpu.memory_space<vmem>> -> memref<128xi32, #tpu.memory_space<vmem>>
    %dma_start3A_33 = arith.constant 0 : i32
    %dma_start3A_34 = arith.constant 0 : i32
    %dma_start3A_35 = tpu.memref_slice %arg2[%dma_start3A_33, %dma_start3A_34] : memref<100000x128xf32, #tpu.memory_space<hbm>> -> memref<100000x128xf32, #tpu.memory_space<hbm>>
    tpu.enqueue_indirect_dma source(%dma_start3A_35 : memref<100000x128xf32, #tpu.memory_space<hbm>>) target(%dma_start3A_30 : memref<128x128xf32, #tpu.memory_space<vmem>>) offsets(%dma_start3A_32 : memref<128xi32, #tpu.memory_space<vmem>>) semaphore(%arg13 : memref<!tpu.dma_semaphore, #tpu.memory_space<semaphore_mem>>)
    %dma_start3A_36 = arith.constant 1 : i32
    %dma_start3A_37 = arith.constant 0 : i32
    %dma_start3A_38 = arith.constant 0 : i32
    %dma_start3A_39 = tpu.memref_slice %arg11[%dma_start3A_36, %dma_start3A_37, %dma_start3A_38] : memref<2x128x128xf32, #tpu.memory_space<vmem>> -> memref<1x128x128xf32, #tpu.memory_space<vmem>>
    %dma_start3A_40 = tpu.memref_squeeze %dma_start3A_39 : memref<1x128x128xf32, #tpu.memory_space<vmem>> -> memref<128x128xf32, #tpu.memory_space<vmem>>
    %dma_start3A_41 = arith.constant 128 : i32
    %dma_start3A_42 = tpu.memref_slice %arg9[%dma_start3A_41] : memref<256xi32, #tpu.memory_space<vmem>> -> memref<128xi32, #tpu.memory_space<vmem>>
    %dma_start3A_43 = arith.constant 0 : i32
    %dma_start3A_44 = arith.constant 0 : i32
    %dma_start3A_45 = tpu.memref_slice %arg3[%dma_start3A_43, %dma_start3A_44] : memref<100000x128xf32, #tpu.memory_space<hbm>> -> memref<100000x128xf32, #tpu.memory_space<hbm>>
    tpu.enqueue_indirect_dma source(%dma_start3A_45 : memref<100000x128xf32, #tpu.memory_space<hbm>>) target(%dma_start3A_40 : memref<128x128xf32, #tpu.memory_space<vmem>>) offsets(%dma_start3A_42 : memref<128xi32, #tpu.memory_space<vmem>>) semaphore(%arg17 : memref<!tpu.dma_semaphore, #tpu.memory_space<semaphore_mem>>)
    %dma_wait3A = arith.constant 0 : i32
    %dma_wait3A_46 = arith.constant 0 : i32
    %dma_wait3A_47 = arith.constant 0 : i32
    %dma_wait3A_48 = tpu.memref_slice %arg10[%dma_wait3A, %dma_wait3A_46, %dma_wait3A_47] : memref<2x128x128xf32, #tpu.memory_space<vmem>> -> memref<1x128x128xf32, #tpu.memory_space<vmem>>
    %dma_wait3A_49 = tpu.memref_squeeze %dma_wait3A_48 : memref<1x128x128xf32, #tpu.memory_space<vmem>> -> memref<128x128xf32, #tpu.memory_space<vmem>>
    %dma_wait3A_50 = arith.constant 0 : i32
    %dma_wait3A_51 = tpu.memref_slice %arg8[%dma_wait3A_50] : memref<256xi32, #tpu.memory_space<vmem>> -> memref<128xi32, #tpu.memory_space<vmem>>
    %dma_wait3A_52 = arith.constant 0 : i32
    %dma_wait3A_53 = arith.constant 0 : i32
    %dma_wait3A_54 = tpu.memref_slice %arg2[%dma_wait3A_52, %dma_wait3A_53] : memref<100000x128xf32, #tpu.memory_space<hbm>> -> memref<100000x128xf32, #tpu.memory_space<hbm>>
    tpu.wait_indirect_dma semaphore(%arg12 : memref<!tpu.dma_semaphore, #tpu.memory_space<semaphore_mem>>) src(%dma_wait3A_54 : memref<100000x128xf32, #tpu.memory_space<hbm>>) dst(%dma_wait3A_49 : memref<128x128xf32, #tpu.memory_space<vmem>>)
    %dma_wait3A_55 = arith.constant 0 : i32
    %dma_wait3A_56 = arith.constant 0 : i32
    %dma_wait3A_57 = arith.constant 0 : i32
    %dma_wait3A_58 = tpu.memref_slice %arg11[%dma_wait3A_55, %dma_wait3A_56, %dma_wait3A_57] : memref<2x128x128xf32, #tpu.memory_space<vmem>> -> memref<1x128x128xf32, #tpu.memory_space<vmem>>
    %dma_wait3A_59 = tpu.memref_squeeze %dma_wait3A_58 : memref<1x128x128xf32, #tpu.memory_space<vmem>> -> memref<128x128xf32, #tpu.memory_space<vmem>>
    %dma_wait3A_60 = arith.constant 0 : i32
    %dma_wait3A_61 = tpu.memref_slice %arg9[%dma_wait3A_60] : memref<256xi32, #tpu.memory_space<vmem>> -> memref<128xi32, #tpu.memory_space<vmem>>
    %dma_wait3A_62 = arith.constant 0 : i32
    %dma_wait3A_63 = arith.constant 0 : i32
    %dma_wait3A_64 = tpu.memref_slice %arg3[%dma_wait3A_62, %dma_wait3A_63] : memref<100000x128xf32, #tpu.memory_space<hbm>> -> memref<100000x128xf32, #tpu.memory_space<hbm>>
    tpu.wait_indirect_dma semaphore(%arg16 : memref<!tpu.dma_semaphore, #tpu.memory_space<semaphore_mem>>) src(%dma_wait3A_64 : memref<100000x128xf32, #tpu.memory_space<hbm>>) dst(%dma_wait3A_59 : memref<128x128xf32, #tpu.memory_space<vmem>>)
    %add3A_65 = arith.constant 0 : i32
    %add3A_66 = arith.addi %mul3A_2, %add3A_65 : i32
    %dma_start3A_67 = arith.constant 0 : i32
    %dma_start3A_68 = arith.constant 0 : i32
    %dma_start3A_69 = arith.constant 0 : i32
    %dma_start3A_70 = tpu.memref_slice %arg10[%dma_start3A_67, %dma_start3A_68, %dma_start3A_69] : memref<2x128x128xf32, #tpu.memory_space<vmem>> -> memref<1x128x128xf32, #tpu.memory_space<vmem>>
    %dma_start3A_71 = tpu.memref_squeeze %dma_start3A_70 : memref<1x128x128xf32, #tpu.memory_space<vmem>> -> memref<128x128xf32, #tpu.memory_space<vmem>>
    %dma_start3A_72 = arith.constant 0 : i32
    %dma_start3A_73 = tpu.memref_slice %arg6[%add3A_66, %dma_start3A_72] : memref<8192x128xf32, #tpu.memory_space<hbm>> -> memref<128x128xf32, #tpu.memory_space<hbm>>
    %dma_start3A_74 = arith.constant 0 : i32
    %dma_start3A_75 = tpu.memref_slice %arg6[%add3A_66, %dma_start3A_74] : memref<8192x128xf32, #tpu.memory_space<hbm>> -> memref<128x128xf32, #tpu.memory_space<hbm>>
    %dma_start3A_76 = arith.constant 0 : i32
    %dma_start3A_77 = arith.constant 0 : i32
    %dma_start3A_78 = tpu.memref_slice %arg10[%dma_start3A_67, %dma_start3A_76, %dma_start3A_77] : memref<2x128x128xf32, #tpu.memory_space<vmem>> -> memref<1x128x128xf32, #tpu.memory_space<vmem>>
    %dma_start3A_79 = tpu.memref_squeeze %dma_start3A_78 : memref<1x128x128xf32, #tpu.memory_space<vmem>> -> memref<128x128xf32, #tpu.memory_space<vmem>>
    tpu.enqueue_dma source(%dma_start3A_79 : memref<128x128xf32, #tpu.memory_space<vmem>>) target(%dma_start3A_75 : memref<128x128xf32, #tpu.memory_space<hbm>>) target_semaphore(%arg20 : memref<!tpu.dma_semaphore, #tpu.memory_space<semaphore_mem>>)
    %dma_start3A_80 = arith.constant 0 : i32
    %dma_start3A_81 = arith.constant 0 : i32
    %dma_start3A_82 = arith.constant 0 : i32
    %dma_start3A_83 = tpu.memref_slice %arg11[%dma_start3A_80, %dma_start3A_81, %dma_start3A_82] : memref<2x128x128xf32, #tpu.memory_space<vmem>> -> memref<1x128x128xf32, #tpu.memory_space<vmem>>
    %dma_start3A_84 = tpu.memref_squeeze %dma_start3A_83 : memref<1x128x128xf32, #tpu.memory_space<vmem>> -> memref<128x128xf32, #tpu.memory_space<vmem>>
    %dma_start3A_85 = arith.constant 0 : i32
    %dma_start3A_86 = tpu.memref_slice %arg7[%add3A_66, %dma_start3A_85] : memref<8192x128xf32, #tpu.memory_space<hbm>> -> memref<128x128xf32, #tpu.memory_space<hbm>>
    %dma_start3A_87 = arith.constant 0 : i32
    %dma_start3A_88 = tpu.memref_slice %arg7[%add3A_66, %dma_start3A_87] : memref<8192x128xf32, #tpu.memory_space<hbm>> -> memref<128x128xf32, #tpu.memory_space<hbm>>
    %dma_start3A_89 = arith.constant 0 : i32
    %dma_start3A_90 = arith.constant 0 : i32
    %dma_start3A_91 = tpu.memref_slice %arg11[%dma_start3A_80, %dma_start3A_89, %dma_start3A_90] : memref<2x128x128xf32, #tpu.memory_space<vmem>> -> memref<1x128x128xf32, #tpu.memory_space<vmem>>
    %dma_start3A_92 = tpu.memref_squeeze %dma_start3A_91 : memref<1x128x128xf32, #tpu.memory_space<vmem>> -> memref<128x128xf32, #tpu.memory_space<vmem>>
    tpu.enqueue_dma source(%dma_start3A_92 : memref<128x128xf32, #tpu.memory_space<vmem>>) target(%dma_start3A_88 : memref<128x128xf32, #tpu.memory_space<hbm>>) target_semaphore(%arg24 : memref<!tpu.dma_semaphore, #tpu.memory_space<semaphore_mem>>)
    %dma_wait3A_93 = arith.constant 1 : i32
    %dma_wait3A_94 = arith.constant 0 : i32
    %dma_wait3A_95 = arith.constant 0 : i32
    %dma_wait3A_96 = tpu.memref_slice %arg10[%dma_wait3A_93, %dma_wait3A_94, %dma_wait3A_95] : memref<2x128x128xf32, #tpu.memory_space<vmem>> -> memref<1x128x128xf32, #tpu.memory_space<vmem>>
    %dma_wait3A_97 = tpu.memref_squeeze %dma_wait3A_96 : memref<1x128x128xf32, #tpu.memory_space<vmem>> -> memref<128x128xf32, #tpu.memory_space<vmem>>
    %dma_wait3A_98 = arith.constant 128 : i32
    %dma_wait3A_99 = tpu.memref_slice %arg8[%dma_wait3A_98] : memref<256xi32, #tpu.memory_space<vmem>> -> memref<128xi32, #tpu.memory_space<vmem>>
    %dma_wait3A_100 = arith.constant 0 : i32
    %dma_wait3A_101 = arith.constant 0 : i32
    %dma_wait3A_102 = tpu.memref_slice %arg2[%dma_wait3A_100, %dma_wait3A_101] : memref<100000x128xf32, #tpu.memory_space<hbm>> -> memref<100000x128xf32, #tpu.memory_space<hbm>>
    tpu.wait_indirect_dma semaphore(%arg13 : memref<!tpu.dma_semaphore, #tpu.memory_space<semaphore_mem>>) src(%dma_wait3A_102 : memref<100000x128xf32, #tpu.memory_space<hbm>>) dst(%dma_wait3A_97 : memref<128x128xf32, #tpu.memory_space<vmem>>)
    %dma_wait3A_103 = arith.constant 1 : i32
    %dma_wait3A_104 = arith.constant 0 : i32
    %dma_wait3A_105 = arith.constant 0 : i32
    %dma_wait3A_106 = tpu.memref_slice %arg11[%dma_wait3A_103, %dma_wait3A_104, %dma_wait3A_105] : memref<2x128x128xf32, #tpu.memory_space<vmem>> -> memref<1x128x128xf32, #tpu.memory_space<vmem>>
    %dma_wait3A_107 = tpu.memref_squeeze %dma_wait3A_106 : memref<1x128x128xf32, #tpu.memory_space<vmem>> -> memref<128x128xf32, #tpu.memory_space<vmem>>
    %dma_wait3A_108 = arith.constant 128 : i32
    %dma_wait3A_109 = tpu.memref_slice %arg9[%dma_wait3A_108] : memref<256xi32, #tpu.memory_space<vmem>> -> memref<128xi32, #tpu.memory_space<vmem>>
    %dma_wait3A_110 = arith.constant 0 : i32
    %dma_wait3A_111 = arith.constant 0 : i32
    %dma_wait3A_112 = tpu.memref_slice %arg3[%dma_wait3A_110, %dma_wait3A_111] : memref<100000x128xf32, #tpu.memory_space<hbm>> -> memref<100000x128xf32, #tpu.memory_space<hbm>>
    tpu.wait_indirect_dma semaphore(%arg17 : memref<!tpu.dma_semaphore, #tpu.memory_space<semaphore_mem>>) src(%dma_wait3A_112 : memref<100000x128xf32, #tpu.memory_space<hbm>>) dst(%dma_wait3A_107 : memref<128x128xf32, #tpu.memory_space<vmem>>)
    %add3A_113 = arith.constant 128 : i32
    %add3A_114 = arith.addi %mul3A_2, %add3A_113 : i32
    %dma_start3A_115 = arith.constant 1 : i32
    %dma_start3A_116 = arith.constant 0 : i32
    %dma_start3A_117 = arith.constant 0 : i32
    %dma_start3A_118 = tpu.memref_slice %arg10[%dma_start3A_115, %dma_start3A_116, %dma_start3A_117] : memref<2x128x128xf32, #tpu.memory_space<vmem>> -> memref<1x128x128xf32, #tpu.memory_space<vmem>>
    %dma_start3A_119 = tpu.memref_squeeze %dma_start3A_118 : memref<1x128x128xf32, #tpu.memory_space<vmem>> -> memref<128x128xf32, #tpu.memory_space<vmem>>
    %dma_start3A_120 = arith.constant 0 : i32
    %dma_start3A_121 = tpu.memref_slice %arg6[%add3A_114, %dma_start3A_120] : memref<8192x128xf32, #tpu.memory_space<hbm>> -> memref<128x128xf32, #tpu.memory_space<hbm>>
    %dma_start3A_122 = arith.constant 0 : i32
    %dma_start3A_123 = tpu.memref_slice %arg6[%add3A_114, %dma_start3A_122] : memref<8192x128xf32, #tpu.memory_space<hbm>> -> memref<128x128xf32, #tpu.memory_space<hbm>>
    %dma_start3A_124 = arith.constant 0 : i32
    %dma_start3A_125 = arith.constant 0 : i32
    %dma_start3A_126 = tpu.memref_slice %arg10[%dma_start3A_115, %dma_start3A_124, %dma_start3A_125] : memref<2x128x128xf32, #tpu.memory_space<vmem>> -> memref<1x128x128xf32, #tpu.memory_space<vmem>>
    %dma_start3A_127 = tpu.memref_squeeze %dma_start3A_126 : memref<1x128x128xf32, #tpu.memory_space<vmem>> -> memref<128x128xf32, #tpu.memory_space<vmem>>
    tpu.enqueue_dma source(%dma_start3A_127 : memref<128x128xf32, #tpu.memory_space<vmem>>) target(%dma_start3A_123 : memref<128x128xf32, #tpu.memory_space<hbm>>) target_semaphore(%arg21 : memref<!tpu.dma_semaphore, #tpu.memory_space<semaphore_mem>>)
    %dma_start3A_128 = arith.constant 1 : i32
    %dma_start3A_129 = arith.constant 0 : i32
    %dma_start3A_130 = arith.constant 0 : i32
    %dma_start3A_131 = tpu.memref_slice %arg11[%dma_start3A_128, %dma_start3A_129, %dma_start3A_130] : memref<2x128x128xf32, #tpu.memory_space<vmem>> -> memref<1x128x128xf32, #tpu.memory_space<vmem>>
    %dma_start3A_132 = tpu.memref_squeeze %dma_start3A_131 : memref<1x128x128xf32, #tpu.memory_space<vmem>> -> memref<128x128xf32, #tpu.memory_space<vmem>>
    %dma_start3A_133 = arith.constant 0 : i32
    %dma_start3A_134 = tpu.memref_slice %arg7[%add3A_114, %dma_start3A_133] : memref<8192x128xf32, #tpu.memory_space<hbm>> -> memref<128x128xf32, #tpu.memory_space<hbm>>
    %dma_start3A_135 = arith.constant 0 : i32
    %dma_start3A_136 = tpu.memref_slice %arg7[%add3A_114, %dma_start3A_135] : memref<8192x128xf32, #tpu.memory_space<hbm>> -> memref<128x128xf32, #tpu.memory_space<hbm>>
    %dma_start3A_137 = arith.constant 0 : i32
    %dma_start3A_138 = arith.constant 0 : i32
    %dma_start3A_139 = tpu.memref_slice %arg11[%dma_start3A_128, %dma_start3A_137, %dma_start3A_138] : memref<2x128x128xf32, #tpu.memory_space<vmem>> -> memref<1x128x128xf32, #tpu.memory_space<vmem>>
    %dma_start3A_140 = tpu.memref_squeeze %dma_start3A_139 : memref<1x128x128xf32, #tpu.memory_space<vmem>> -> memref<128x128xf32, #tpu.memory_space<vmem>>
    tpu.enqueue_dma source(%dma_start3A_140 : memref<128x128xf32, #tpu.memory_space<vmem>>) target(%dma_start3A_136 : memref<128x128xf32, #tpu.memory_space<hbm>>) target_semaphore(%arg25 : memref<!tpu.dma_semaphore, #tpu.memory_space<semaphore_mem>>)
    %dma_wait3A_141 = arith.constant 0 : i32
    %dma_wait3A_142 = arith.constant 0 : i32
    %dma_wait3A_143 = arith.constant 0 : i32
    %dma_wait3A_144 = tpu.memref_slice %arg10[%dma_wait3A_141, %dma_wait3A_142, %dma_wait3A_143] : memref<2x128x128xf32, #tpu.memory_space<vmem>> -> memref<1x128x128xf32, #tpu.memory_space<vmem>>
    %dma_wait3A_145 = tpu.memref_squeeze %dma_wait3A_144 : memref<1x128x128xf32, #tpu.memory_space<vmem>> -> memref<128x128xf32, #tpu.memory_space<vmem>>
    %dma_wait3A_146 = arith.constant 0 : i32
    %dma_wait3A_147 = tpu.memref_slice %arg6[%add3A_66, %dma_wait3A_146] : memref<8192x128xf32, #tpu.memory_space<hbm>> -> memref<128x128xf32, #tpu.memory_space<hbm>>
    %dma_wait3A_148 = arith.constant 0 : i32
    %dma_wait3A_149 = tpu.memref_slice %arg6[%add3A_66, %dma_wait3A_148] : memref<8192x128xf32, #tpu.memory_space<hbm>> -> memref<128x128xf32, #tpu.memory_space<hbm>>
    %dma_wait3A_150 = arith.constant 0 : i32
    %dma_wait3A_151 = arith.constant 0 : i32
    %dma_wait3A_152 = tpu.memref_slice %arg10[%dma_wait3A_141, %dma_wait3A_150, %dma_wait3A_151] : memref<2x128x128xf32, #tpu.memory_space<vmem>> -> memref<1x128x128xf32, #tpu.memory_space<vmem>>
    %dma_wait3A_153 = tpu.memref_squeeze %dma_wait3A_152 : memref<1x128x128xf32, #tpu.memory_space<vmem>> -> memref<128x128xf32, #tpu.memory_space<vmem>>
    tpu.wait_dma2 semaphore(%arg20 : memref<!tpu.dma_semaphore, #tpu.memory_space<semaphore_mem>>) src(%dma_wait3A_153 : memref<128x128xf32, #tpu.memory_space<vmem>>) dst(%dma_wait3A_149 : memref<128x128xf32, #tpu.memory_space<hbm>>)
    %dma_wait3A_154 = arith.constant 0 : i32
    %dma_wait3A_155 = arith.constant 0 : i32
    %dma_wait3A_156 = arith.constant 0 : i32
    %dma_wait3A_157 = tpu.memref_slice %arg11[%dma_wait3A_154, %dma_wait3A_155, %dma_wait3A_156] : memref<2x128x128xf32, #tpu.memory_space<vmem>> -> memref<1x128x128xf32, #tpu.memory_space<vmem>>
    %dma_wait3A_158 = tpu.memref_squeeze %dma_wait3A_157 : memref<1x128x128xf32, #tpu.memory_space<vmem>> -> memref<128x128xf32, #tpu.memory_space<vmem>>
    %dma_wait3A_159 = arith.constant 0 : i32
    %dma_wait3A_160 = tpu.memref_slice %arg7[%add3A_66, %dma_wait3A_159] : memref<8192x128xf32, #tpu.memory_space<hbm>> -> memref<128x128xf32, #tpu.memory_space<hbm>>
    %dma_wait3A_161 = arith.constant 0 : i32
    %dma_wait3A_162 = tpu.memref_slice %arg7[%add3A_66, %dma_wait3A_161] : memref<8192x128xf32, #tpu.memory_space<hbm>> -> memref<128x128xf32, #tpu.memory_space<hbm>>
    %dma_wait3A_163 = arith.constant 0 : i32
    %dma_wait3A_164 = arith.constant 0 : i32
    %dma_wait3A_165 = tpu.memref_slice %arg11[%dma_wait3A_154, %dma_wait3A_163, %dma_wait3A_164] : memref<2x128x128xf32, #tpu.memory_space<vmem>> -> memref<1x128x128xf32, #tpu.memory_space<vmem>>
    %dma_wait3A_166 = tpu.memref_squeeze %dma_wait3A_165 : memref<1x128x128xf32, #tpu.memory_space<vmem>> -> memref<128x128xf32, #tpu.memory_space<vmem>>
    tpu.wait_dma2 semaphore(%arg24 : memref<!tpu.dma_semaphore, #tpu.memory_space<semaphore_mem>>) src(%dma_wait3A_166 : memref<128x128xf32, #tpu.memory_space<vmem>>) dst(%dma_wait3A_162 : memref<128x128xf32, #tpu.memory_space<hbm>>)
    %dma_wait3A_167 = arith.constant 1 : i32
    %dma_wait3A_168 = arith.constant 0 : i32
    %dma_wait3A_169 = arith.constant 0 : i32
    %dma_wait3A_170 = tpu.memref_slice %arg10[%dma_wait3A_167, %dma_wait3A_168, %dma_wait3A_169] : memref<2x128x128xf32, #tpu.memory_space<vmem>> -> memref<1x128x128xf32, #tpu.memory_space<vmem>>
    %dma_wait3A_171 = tpu.memref_squeeze %dma_wait3A_170 : memref<1x128x128xf32, #tpu.memory_space<vmem>> -> memref<128x128xf32, #tpu.memory_space<vmem>>
    %dma_wait3A_172 = arith.constant 0 : i32
    %dma_wait3A_173 = tpu.memref_slice %arg6[%add3A_114, %dma_wait3A_172] : memref<8192x128xf32, #tpu.memory_space<hbm>> -> memref<128x128xf32, #tpu.memory_space<hbm>>
    %dma_wait3A_174 = arith.constant 0 : i32
    %dma_wait3A_175 = tpu.memref_slice %arg6[%add3A_114, %dma_wait3A_174] : memref<8192x128xf32, #tpu.memory_space<hbm>> -> memref<128x128xf32, #tpu.memory_space<hbm>>
    %dma_wait3A_176 = arith.constant 0 : i32
    %dma_wait3A_177 = arith.constant 0 : i32
    %dma_wait3A_178 = tpu.memref_slice %arg10[%dma_wait3A_167, %dma_wait3A_176, %dma_wait3A_177] : memref<2x128x128xf32, #tpu.memory_space<vmem>> -> memref<1x128x128xf32, #tpu.memory_space<vmem>>
    %dma_wait3A_179 = tpu.memref_squeeze %dma_wait3A_178 : memref<1x128x128xf32, #tpu.memory_space<vmem>> -> memref<128x128xf32, #tpu.memory_space<vmem>>
    tpu.wait_dma2 semaphore(%arg21 : memref<!tpu.dma_semaphore, #tpu.memory_space<semaphore_mem>>) src(%dma_wait3A_179 : memref<128x128xf32, #tpu.memory_space<vmem>>) dst(%dma_wait3A_175 : memref<128x128xf32, #tpu.memory_space<hbm>>)
    %dma_wait3A_180 = arith.constant 1 : i32
    %dma_wait3A_181 = arith.constant 0 : i32
    %dma_wait3A_182 = arith.constant 0 : i32
    %dma_wait3A_183 = tpu.memref_slice %arg11[%dma_wait3A_180, %dma_wait3A_181, %dma_wait3A_182] : memref<2x128x128xf32, #tpu.memory_space<vmem>> -> memref<1x128x128xf32, #tpu.memory_space<vmem>>
    %dma_wait3A_184 = tpu.memref_squeeze %dma_wait3A_183 : memref<1x128x128xf32, #tpu.memory_space<vmem>> -> memref<128x128xf32, #tpu.memory_space<vmem>>
    %dma_wait3A_185 = arith.constant 0 : i32
    %dma_wait3A_186 = tpu.memref_slice %arg7[%add3A_114, %dma_wait3A_185] : memref<8192x128xf32, #tpu.memory_space<hbm>> -> memref<128x128xf32, #tpu.memory_space<hbm>>
    %dma_wait3A_187 = arith.constant 0 : i32
    %dma_wait3A_188 = tpu.memref_slice %arg7[%add3A_114, %dma_wait3A_187] : memref<8192x128xf32, #tpu.memory_space<hbm>> -> memref<128x128xf32, #tpu.memory_space<hbm>>
    %dma_wait3A_189 = arith.constant 0 : i32
    %dma_wait3A_190 = arith.constant 0 : i32
    %dma_wait3A_191 = tpu.memref_slice %arg11[%dma_wait3A_180, %dma_wait3A_189, %dma_wait3A_190] : memref<2x128x128xf32, #tpu.memory_space<vmem>> -> memref<1x128x128xf32, #tpu.memory_space<vmem>>
    %dma_wait3A_192 = tpu.memref_squeeze %dma_wait3A_191 : memref<1x128x128xf32, #tpu.memory_space<vmem>> -> memref<128x128xf32, #tpu.memory_space<vmem>>
    tpu.wait_dma2 semaphore(%arg25 : memref<!tpu.dma_semaphore, #tpu.memory_space<semaphore_mem>>) src(%dma_wait3A_192 : memref<128x128xf32, #tpu.memory_space<vmem>>) dst(%dma_wait3A_188 : memref<128x128xf32, #tpu.memory_space<hbm>>)
    return
  }
}

module attributes {stable_mosaic.version = 14 : i64} {
  func.func @_tc_mlp_body(%arg0: i32, %arg1: memref<2048x128xf32, #tpu.memory_space<vmem>>, %arg2: memref<2048x128xf32, #tpu.memory_space<vmem>>, %arg3: memref<384x256xf32, #tpu.memory_space<vmem>>, %arg4: memref<256xf32, #tpu.memory_space<vmem>>, %arg5: memref<256x1xf32, #tpu.memory_space<vmem>>, %arg6: memref<1xf32, #tpu.memory_space<smem>>, %arg7: memref<128x128xf32, #tpu.memory_space<vmem>>, %arg8: memref<16384xf32, #tpu.memory_space<any>>, %arg9: memref<16384xf32, #tpu.memory_space<any>>, %arg10: memref<2048xf32, #tpu.memory_space<vmem>>, %arg11: memref<2048xf32, #tpu.memory_space<vmem>>) attributes {dimension_semantics = [#tpu.dimension_semantics<arbitrary>], iteration_bounds = array<i64: 4>, scalar_prefetch = 0 : i64, scratch_operands = 0 : i64, tpu.core_type = #tpu.core_type<tc>, window_params = [{transform_indices = @transform_0, window_bounds = array<i64: 2048, 128>}, {transform_indices = @transform_1, window_bounds = array<i64: 2048, 128>}, {pipeline_mode = #tpu.pipeline_mode<synchronous>, transform_indices = @transform_2, window_bounds = array<i64: 384, 256>}, {pipeline_mode = #tpu.pipeline_mode<synchronous>, transform_indices = @transform_3, window_bounds = array<i64: 256>}, {pipeline_mode = #tpu.pipeline_mode<synchronous>, transform_indices = @transform_4, window_bounds = array<i64: 256, 1>}, {transform_indices = @transform_5, window_bounds = array<i64: 1>}, {pipeline_mode = #tpu.pipeline_mode<synchronous>, transform_indices = @transform_6, window_bounds = array<i64: 128, 128>}, {}, {}, {transform_indices = @transform_9, window_bounds = array<i64: 2048>}, {transform_indices = @transform_10, window_bounds = array<i64: 2048>}]} {
    %get3A = arith.constant 0 : index
    %get3A_0 = arith.constant 0 : index
    %get3A_1 = vector.load %arg1[%get3A, %get3A_0] : memref<2048x128xf32, #tpu.memory_space<vmem>>, vector<2048x128xf32>
    %get3A_2 = arith.constant 0 : index
    %get3A_3 = arith.constant 0 : index
    %get3A_4 = vector.load %arg2[%get3A_2, %get3A_3] : memref<2048x128xf32, #tpu.memory_space<vmem>>, vector<2048x128xf32>
    %mul3A = arith.mulf %get3A_1, %get3A_4 : vector<2048x128xf32>
    %get3A_5 = arith.constant 0 : index
    %get3A_6 = arith.constant 0 : index
    %get3A_7 = vector.load %arg7[%get3A_5, %get3A_6] : memref<128x128xf32, #tpu.memory_space<vmem>>, vector<128x128xf32>
    %broadcast_in_dim3A = arith.constant 1.000000e+00 : f32
    %broadcast_in_dim3A_8 = vector.broadcast %broadcast_in_dim3A : f32 to vector<128x128xf32>
    %dot_general3A = arith.constant dense<0.000000e+00> : vector<2048x128xf32>
    %dot_general3A_9 = tpu.matmul %mul3A, %broadcast_in_dim3A_8, %dot_general3A {dimension_numbers = #tpu.dot_dimension_numbers<[1], [0], [0], [1], [0, 0, 1, 1], [], []>, transpose_lhs_hint = false} : vector<2048x128xf32>, vector<128x128xf32>, vector<2048x128xf32> -> vector<2048x128xf32>
    %reshape3A = vector.shape_cast %dot_general3A_9 : vector<2048x128xf32> to vector<16x128x128xf32>
    %broadcast_in_dim3A_10 = vector.shape_cast %get3A_7 : vector<128x128xf32> to vector<1x128x128xf32>
    %mul3A_11 = vector.broadcast %broadcast_in_dim3A_10 : vector<1x128x128xf32> to vector<16x128x128xf32>
    %mul3A_12 = arith.mulf %reshape3A, %mul3A_11 : vector<16x128x128xf32>
    %reduce_sum3A = arith.constant dense<0.000000e+00> : vector<16x128xf32>
    %reduce_sum3A_13 = vector.multi_reduction <add>, %mul3A_12, %reduce_sum3A [1] : vector<16x128x128xf32> to vector<16x128xf32>
    %reshape3A_14 = vector.shape_cast %reduce_sum3A_13 : vector<16x128xf32> to vector<2048xf32>
    %swap3A = arith.constant 0 : index
    %swap3A_15 = vector.load %arg10[%swap3A] : memref<2048xf32, #tpu.memory_space<vmem>>, vector<2048xf32>
    tpu.vector_store %arg10[%swap3A], %reshape3A_14 {strides = array<i32>} : memref<2048xf32, #tpu.memory_space<vmem>>, vector<2048xf32>,
    %get3A_16 = arith.constant 0 : index
    %get3A_17 = arith.constant 0 : index
    %get3A_18 = vector.load %arg3[%get3A_16, %get3A_17] : memref<384x256xf32, #tpu.memory_space<vmem>>, vector<384x256xf32>
    %slice3A = vector.extract_strided_slice %get3A_18 {offsets = [0, 0], sizes = [128, 256], strides = [1, 1]} : vector<384x256xf32> to vector<128x256xf32>
    %dot_general3A_19 = arith.constant dense<0.000000e+00> : vector<2048x256xf32>
    %dot_general3A_20 = tpu.matmul %get3A_1, %slice3A, %dot_general3A_19 {dimension_numbers = #tpu.dot_dimension_numbers<[1], [0], [0], [1], [0, 0, 1, 1], [], []>, transpose_lhs_hint = false} : vector<2048x128xf32>, vector<128x256xf32>, vector<2048x256xf32> -> vector<2048x256xf32>
    %slice3A_21 = vector.extract_strided_slice %get3A_18 {offsets = [128, 0], sizes = [128, 256], strides = [1, 1]} : vector<384x256xf32> to vector<128x256xf32>
    %dot_general3A_22 = arith.constant dense<0.000000e+00> : vector<2048x256xf32>
    %dot_general3A_23 = tpu.matmul %get3A_4, %slice3A_21, %dot_general3A_22 {dimension_numbers = #tpu.dot_dimension_numbers<[1], [0], [0], [1], [0, 0, 1, 1], [], []>, transpose_lhs_hint = false} : vector<2048x128xf32>, vector<128x256xf32>, vector<2048x256xf32> -> vector<2048x256xf32>
    %add3A = arith.addf %dot_general3A_20, %dot_general3A_23 : vector<2048x256xf32>
    %slice3A_24 = vector.extract_strided_slice %get3A_18 {offsets = [256, 0], sizes = [128, 256], strides = [1, 1]} : vector<384x256xf32> to vector<128x256xf32>
    %dot_general3A_25 = arith.constant dense<0.000000e+00> : vector<2048x256xf32>
    %dot_general3A_26 = tpu.matmul %mul3A, %slice3A_24, %dot_general3A_25 {dimension_numbers = #tpu.dot_dimension_numbers<[1], [0], [0], [1], [0, 0, 1, 1], [], []>, transpose_lhs_hint = false} : vector<2048x128xf32>, vector<128x256xf32>, vector<2048x256xf32> -> vector<2048x256xf32>
    %add3A_27 = arith.addf %add3A, %dot_general3A_26 : vector<2048x256xf32>
    %get3A_28 = arith.constant 0 : index
    %get3A_29 = vector.load %arg4[%get3A_28] : memref<256xf32, #tpu.memory_space<vmem>>, vector<256xf32>
    %broadcast_in_dim3A_30 = vector.shape_cast %get3A_29 : vector<256xf32> to vector<1x256xf32>
    %add3A_31 = vector.broadcast %broadcast_in_dim3A_30 : vector<1x256xf32> to vector<2048x256xf32>
    %add3A_32 = arith.addf %add3A_27, %add3A_31 : vector<2048x256xf32>
    %max3A = arith.constant 0.000000e+00 : f32
    %max3A_33 = vector.broadcast %max3A : f32 to vector<2048x256xf32>
    %max3A_34 = arith.maximumf %add3A_32, %max3A_33 : vector<2048x256xf32>
    %get3A_35 = arith.constant 0 : index
    %get3A_36 = arith.constant 0 : index
    %get3A_37 = vector.load %arg5[%get3A_35, %get3A_36] : memref<256x1xf32, #tpu.memory_space<vmem>>, vector<256x1xf32>
    %broadcast_in_dim3A_38 = vector.shape_cast %get3A_37 : vector<256x1xf32> to vector<256x1xf32>
    %broadcast_in_dim3A_39 = vector.broadcast %broadcast_in_dim3A_38 : vector<256x1xf32> to vector<256x128xf32>
    %dot_general3A_40 = arith.constant dense<0.000000e+00> : vector<2048x128xf32>
    %dot_general3A_41 = tpu.matmul %max3A_34, %broadcast_in_dim3A_39, %dot_general3A_40 {dimension_numbers = #tpu.dot_dimension_numbers<[1], [0], [0], [1], [0, 0, 1, 1], [], []>, transpose_lhs_hint = false} : vector<2048x256xf32>, vector<256x128xf32>, vector<2048x128xf32> -> vector<2048x128xf32>
    %reshape3A_42 = vector.shape_cast %dot_general3A_41 : vector<2048x128xf32> to vector<16x128x128xf32>
    %broadcast_in_dim3A_43 = vector.shape_cast %get3A_7 : vector<128x128xf32> to vector<1x128x128xf32>
    %mul3A_44 = vector.broadcast %broadcast_in_dim3A_43 : vector<1x128x128xf32> to vector<16x128x128xf32>
    %mul3A_45 = arith.mulf %reshape3A_42, %mul3A_44 : vector<16x128x128xf32>
    %reduce_sum3A_46 = arith.constant dense<0.000000e+00> : vector<16x128xf32>
    %reduce_sum3A_47 = vector.multi_reduction <add>, %mul3A_45, %reduce_sum3A_46 [1] : vector<16x128x128xf32> to vector<16x128xf32>
    %reshape3A_48 = vector.shape_cast %reduce_sum3A_47 : vector<16x128xf32> to vector<2048xf32>
    %get3A_49 = arith.constant 0 : index
    %get3A_50 = memref.load %arg6[%get3A_49] : memref<1xf32, #tpu.memory_space<smem>>
    %add3A_51 = vector.broadcast %get3A_50 : f32 to vector<2048xf32>
    %add3A_52 = arith.addf %reshape3A_48, %add3A_51 : vector<2048xf32>
    %swap3A_53 = arith.constant 0 : index
    %swap3A_54 = vector.load %arg11[%swap3A_53] : memref<2048xf32, #tpu.memory_space<vmem>>, vector<2048xf32>
    tpu.vector_store %arg11[%swap3A_53], %add3A_52 {strides = array<i32>} : memref<2048xf32, #tpu.memory_space<vmem>>, vector<2048xf32>,
    return
  }
  func.func @transform_0(%arg0: i32) -> (i32, i32) {
    %c0_i32 = arith.constant 0 : i32
    %c0_i32_0 = arith.constant 0 : i32
    return %arg0, %c0_i32 : i32, i32
  }
  func.func @transform_1(%arg0: i32) -> (i32, i32) {
    %c0_i32 = arith.constant 0 : i32
    %c0_i32_0 = arith.constant 0 : i32
    return %arg0, %c0_i32 : i32, i32
  }
  func.func @transform_2(%arg0: i32) -> (i32, i32) {
    %c0_i32 = arith.constant 0 : i32
    %c0_i32_0 = arith.constant 0 : i32
    %c0_i32_1 = arith.constant 0 : i32
    return %c0_i32, %c0_i32_0 : i32, i32
  }
  func.func @transform_3(%arg0: i32) -> i32 {
    %c0_i32 = arith.constant 0 : i32
    %c0_i32_0 = arith.constant 0 : i32
    return %c0_i32 : i32
  }
  func.func @transform_4(%arg0: i32) -> (i32, i32) {
    %c0_i32 = arith.constant 0 : i32
    %c0_i32_0 = arith.constant 0 : i32
    %c0_i32_1 = arith.constant 0 : i32
    return %c0_i32, %c0_i32_0 : i32, i32
  }
  func.func @transform_5(%arg0: i32) -> i32 {
    %c0_i32 = arith.constant 0 : i32
    %c0_i32_0 = arith.constant 0 : i32
    return %c0_i32 : i32
  }
  func.func @transform_6(%arg0: i32) -> (i32, i32) {
    %c0_i32 = arith.constant 0 : i32
    %c0_i32_0 = arith.constant 0 : i32
    %c0_i32_1 = arith.constant 0 : i32
    return %c0_i32, %c0_i32_0 : i32, i32
  }
  func.func @transform_9(%arg0: i32) -> i32 {
    %add3A = arith.constant 4 : i32
    %add3A_0 = arith.addi %arg0, %add3A : i32
    %c0_i32 = arith.constant 0 : i32
    return %add3A_0 : i32
  }
  func.func @transform_10(%arg0: i32) -> i32 {
    %add3A = arith.constant 4 : i32
    %add3A_0 = arith.addi %arg0, %add3A : i32
    %c0_i32 = arith.constant 0 : i32
    return %add3A_0 : i32
  }
}

module attributes {stable_mosaic.version = 14 : i64} {
  func.func @_tc_mlp_body(%arg0: i32, %arg1: memref<2048x128xf32, #tpu.memory_space<vmem>>, %arg2: memref<2048x128xf32, #tpu.memory_space<vmem>>, %arg3: memref<384x256xf32, #tpu.memory_space<vmem>>, %arg4: memref<256xf32, #tpu.memory_space<vmem>>, %arg5: memref<256x1xf32, #tpu.memory_space<vmem>>, %arg6: memref<1xf32, #tpu.memory_space<smem>>, %arg7: memref<128x128xf32, #tpu.memory_space<vmem>>, %arg8: memref<2048xf32, #tpu.memory_space<vmem>>, %arg9: memref<2048xf32, #tpu.memory_space<vmem>>) attributes {dimension_semantics = [#tpu.dimension_semantics<arbitrary>], iteration_bounds = array<i64: 4>, scalar_prefetch = 0 : i64, scratch_operands = 0 : i64, tpu.core_type = #tpu.core_type<tc>, window_params = [{transform_indices = @transform_0, window_bounds = array<i64: 2048, 128>}, {transform_indices = @transform_1, window_bounds = array<i64: 2048, 128>}, {pipeline_mode = #tpu.pipeline_mode<synchronous>, transform_indices = @transform_2, window_bounds = array<i64: 384, 256>}, {pipeline_mode = #tpu.pipeline_mode<synchronous>, transform_indices = @transform_3, window_bounds = array<i64: 256>}, {pipeline_mode = #tpu.pipeline_mode<synchronous>, transform_indices = @transform_4, window_bounds = array<i64: 256, 1>}, {transform_indices = @transform_5, window_bounds = array<i64: 1>}, {pipeline_mode = #tpu.pipeline_mode<synchronous>, transform_indices = @transform_6, window_bounds = array<i64: 128, 128>}, {transform_indices = @transform_7, window_bounds = array<i64: 2048>}, {transform_indices = @transform_8, window_bounds = array<i64: 2048>}]} {
    %get3A = arith.constant 0 : index
    %get3A_0 = arith.constant 0 : index
    %get3A_1 = vector.load %arg1[%get3A, %get3A_0] : memref<2048x128xf32, #tpu.memory_space<vmem>>, vector<2048x128xf32>
    %get3A_2 = arith.constant 0 : index
    %get3A_3 = arith.constant 0 : index
    %get3A_4 = vector.load %arg2[%get3A_2, %get3A_3] : memref<2048x128xf32, #tpu.memory_space<vmem>>, vector<2048x128xf32>
    %mul3A = arith.mulf %get3A_1, %get3A_4 : vector<2048x128xf32>
    %get3A_5 = arith.constant 0 : index
    %get3A_6 = arith.constant 0 : index
    %get3A_7 = vector.load %arg7[%get3A_5, %get3A_6] : memref<128x128xf32, #tpu.memory_space<vmem>>, vector<128x128xf32>
    %broadcast_in_dim3A = arith.constant 1.000000e+00 : f32
    %broadcast_in_dim3A_8 = vector.broadcast %broadcast_in_dim3A : f32 to vector<128x128xf32>
    %dot_general3A = arith.constant dense<0.000000e+00> : vector<2048x128xf32>
    %dot_general3A_9 = tpu.matmul %mul3A, %broadcast_in_dim3A_8, %dot_general3A {dimension_numbers = #tpu.dot_dimension_numbers<[1], [0], [0], [1], [0, 0, 1, 1], [], []>, transpose_lhs_hint = false} : vector<2048x128xf32>, vector<128x128xf32>, vector<2048x128xf32> -> vector<2048x128xf32>
    %reshape3A = vector.shape_cast %dot_general3A_9 : vector<2048x128xf32> to vector<16x128x128xf32>
    %broadcast_in_dim3A_10 = vector.shape_cast %get3A_7 : vector<128x128xf32> to vector<1x128x128xf32>
    %mul3A_11 = vector.broadcast %broadcast_in_dim3A_10 : vector<1x128x128xf32> to vector<16x128x128xf32>
    %mul3A_12 = arith.mulf %reshape3A, %mul3A_11 : vector<16x128x128xf32>
    %reduce_sum3A = arith.constant dense<0.000000e+00> : vector<16x128xf32>
    %reduce_sum3A_13 = vector.multi_reduction <add>, %mul3A_12, %reduce_sum3A [1] : vector<16x128x128xf32> to vector<16x128xf32>
    %reshape3A_14 = vector.shape_cast %reduce_sum3A_13 : vector<16x128xf32> to vector<2048xf32>
    %swap3A = arith.constant 0 : index
    %swap3A_15 = vector.load %arg8[%swap3A] : memref<2048xf32, #tpu.memory_space<vmem>>, vector<2048xf32>
    tpu.vector_store %arg8[%swap3A], %reshape3A_14 {strides = array<i32>} : memref<2048xf32, #tpu.memory_space<vmem>>, vector<2048xf32>,
    %get3A_16 = arith.constant 0 : index
    %get3A_17 = arith.constant 0 : index
    %get3A_18 = vector.load %arg3[%get3A_16, %get3A_17] : memref<384x256xf32, #tpu.memory_space<vmem>>, vector<384x256xf32>
    %slice3A = vector.extract_strided_slice %get3A_18 {offsets = [0, 0], sizes = [128, 256], strides = [1, 1]} : vector<384x256xf32> to vector<128x256xf32>
    %dot_general3A_19 = arith.constant dense<0.000000e+00> : vector<2048x256xf32>
    %dot_general3A_20 = tpu.matmul %get3A_1, %slice3A, %dot_general3A_19 {dimension_numbers = #tpu.dot_dimension_numbers<[1], [0], [0], [1], [0, 0, 1, 1], [], []>, transpose_lhs_hint = false} : vector<2048x128xf32>, vector<128x256xf32>, vector<2048x256xf32> -> vector<2048x256xf32>
    %slice3A_21 = vector.extract_strided_slice %get3A_18 {offsets = [128, 0], sizes = [128, 256], strides = [1, 1]} : vector<384x256xf32> to vector<128x256xf32>
    %dot_general3A_22 = arith.constant dense<0.000000e+00> : vector<2048x256xf32>
    %dot_general3A_23 = tpu.matmul %get3A_4, %slice3A_21, %dot_general3A_22 {dimension_numbers = #tpu.dot_dimension_numbers<[1], [0], [0], [1], [0, 0, 1, 1], [], []>, transpose_lhs_hint = false} : vector<2048x128xf32>, vector<128x256xf32>, vector<2048x256xf32> -> vector<2048x256xf32>
    %add3A = arith.addf %dot_general3A_20, %dot_general3A_23 : vector<2048x256xf32>
    %slice3A_24 = vector.extract_strided_slice %get3A_18 {offsets = [256, 0], sizes = [128, 256], strides = [1, 1]} : vector<384x256xf32> to vector<128x256xf32>
    %dot_general3A_25 = arith.constant dense<0.000000e+00> : vector<2048x256xf32>
    %dot_general3A_26 = tpu.matmul %mul3A, %slice3A_24, %dot_general3A_25 {dimension_numbers = #tpu.dot_dimension_numbers<[1], [0], [0], [1], [0, 0, 1, 1], [], []>, transpose_lhs_hint = false} : vector<2048x128xf32>, vector<128x256xf32>, vector<2048x256xf32> -> vector<2048x256xf32>
    %add3A_27 = arith.addf %add3A, %dot_general3A_26 : vector<2048x256xf32>
    %get3A_28 = arith.constant 0 : index
    %get3A_29 = vector.load %arg4[%get3A_28] : memref<256xf32, #tpu.memory_space<vmem>>, vector<256xf32>
    %broadcast_in_dim3A_30 = vector.shape_cast %get3A_29 : vector<256xf32> to vector<1x256xf32>
    %add3A_31 = vector.broadcast %broadcast_in_dim3A_30 : vector<1x256xf32> to vector<2048x256xf32>
    %add3A_32 = arith.addf %add3A_27, %add3A_31 : vector<2048x256xf32>
    %max3A = arith.constant 0.000000e+00 : f32
    %max3A_33 = vector.broadcast %max3A : f32 to vector<2048x256xf32>
    %max3A_34 = arith.maximumf %add3A_32, %max3A_33 : vector<2048x256xf32>
    %get3A_35 = arith.constant 0 : index
    %get3A_36 = arith.constant 0 : index
    %get3A_37 = vector.load %arg5[%get3A_35, %get3A_36] : memref<256x1xf32, #tpu.memory_space<vmem>>, vector<256x1xf32>
    %broadcast_in_dim3A_38 = vector.shape_cast %get3A_37 : vector<256x1xf32> to vector<256x1xf32>
    %broadcast_in_dim3A_39 = vector.broadcast %broadcast_in_dim3A_38 : vector<256x1xf32> to vector<256x128xf32>
    %dot_general3A_40 = arith.constant dense<0.000000e+00> : vector<2048x128xf32>
    %dot_general3A_41 = tpu.matmul %max3A_34, %broadcast_in_dim3A_39, %dot_general3A_40 {dimension_numbers = #tpu.dot_dimension_numbers<[1], [0], [0], [1], [0, 0, 1, 1], [], []>, transpose_lhs_hint = false} : vector<2048x256xf32>, vector<256x128xf32>, vector<2048x128xf32> -> vector<2048x128xf32>
    %reshape3A_42 = vector.shape_cast %dot_general3A_41 : vector<2048x128xf32> to vector<16x128x128xf32>
    %broadcast_in_dim3A_43 = vector.shape_cast %get3A_7 : vector<128x128xf32> to vector<1x128x128xf32>
    %mul3A_44 = vector.broadcast %broadcast_in_dim3A_43 : vector<1x128x128xf32> to vector<16x128x128xf32>
    %mul3A_45 = arith.mulf %reshape3A_42, %mul3A_44 : vector<16x128x128xf32>
    %reduce_sum3A_46 = arith.constant dense<0.000000e+00> : vector<16x128xf32>
    %reduce_sum3A_47 = vector.multi_reduction <add>, %mul3A_45, %reduce_sum3A_46 [1] : vector<16x128x128xf32> to vector<16x128xf32>
    %reshape3A_48 = vector.shape_cast %reduce_sum3A_47 : vector<16x128xf32> to vector<2048xf32>
    %get3A_49 = arith.constant 0 : index
    %get3A_50 = memref.load %arg6[%get3A_49] : memref<1xf32, #tpu.memory_space<smem>>
    %add3A_51 = vector.broadcast %get3A_50 : f32 to vector<2048xf32>
    %add3A_52 = arith.addf %reshape3A_48, %add3A_51 : vector<2048xf32>
    %swap3A_53 = arith.constant 0 : index
    %swap3A_54 = vector.load %arg9[%swap3A_53] : memref<2048xf32, #tpu.memory_space<vmem>>, vector<2048xf32>
    tpu.vector_store %arg9[%swap3A_53], %add3A_52 {strides = array<i32>} : memref<2048xf32, #tpu.memory_space<vmem>>, vector<2048xf32>,
    return
  }
  func.func @transform_0(%arg0: i32) -> (i32, i32) {
    %c0_i32 = arith.constant 0 : i32
    %c0_i32_0 = arith.constant 0 : i32
    return %arg0, %c0_i32 : i32, i32
  }
  func.func @transform_1(%arg0: i32) -> (i32, i32) {
    %c0_i32 = arith.constant 0 : i32
    %c0_i32_0 = arith.constant 0 : i32
    return %arg0, %c0_i32 : i32, i32
  }
  func.func @transform_2(%arg0: i32) -> (i32, i32) {
    %c0_i32 = arith.constant 0 : i32
    %c0_i32_0 = arith.constant 0 : i32
    %c0_i32_1 = arith.constant 0 : i32
    return %c0_i32, %c0_i32_0 : i32, i32
  }
  func.func @transform_3(%arg0: i32) -> i32 {
    %c0_i32 = arith.constant 0 : i32
    %c0_i32_0 = arith.constant 0 : i32
    return %c0_i32 : i32
  }
  func.func @transform_4(%arg0: i32) -> (i32, i32) {
    %c0_i32 = arith.constant 0 : i32
    %c0_i32_0 = arith.constant 0 : i32
    %c0_i32_1 = arith.constant 0 : i32
    return %c0_i32, %c0_i32_0 : i32, i32
  }
  func.func @transform_5(%arg0: i32) -> i32 {
    %c0_i32 = arith.constant 0 : i32
    %c0_i32_0 = arith.constant 0 : i32
    return %c0_i32 : i32
  }
  func.func @transform_6(%arg0: i32) -> (i32, i32) {
    %c0_i32 = arith.constant 0 : i32
    %c0_i32_0 = arith.constant 0 : i32
    %c0_i32_1 = arith.constant 0 : i32
    return %c0_i32, %c0_i32_0 : i32, i32
  }
  func.func @transform_7(%arg0: i32) -> i32 {
    %add3A = arith.constant 0 : i32
    %add3A_0 = arith.addi %arg0, %add3A : i32
    %c0_i32 = arith.constant 0 : i32
    return %add3A_0 : i32
  }
  func.func @transform_8(%arg0: i32) -> i32 {
    %add3A = arith.constant 0 : i32
    %add3A_0 = arith.addi %arg0, %add3A : i32
    %c0_i32 = arith.constant 0 : i32
    return %add3A_0 : i32
  }
}

</mosaic_0001>

<sc_bundles>
// kernel: kernel.6.cloned.1.call-start
scs
__scs_entry_jumppad:
0x0: {  	(pc) =	sbr.rel $0x88, $3  }
0x1: {  	(tag) =	ssettag $0x0;
	lr =	simm.s32 $0x1  }
0x2: {  	[smem:$0x3F99] =	sst lr;
	_ =	strace $0xD0000000  }
0x3: {  	_ = 	snop  }
0x4: {  	_ = 	snop  }
0x5: {  	_ = 	snop  }
0x6: {  	_ = 	snop  }
0x7: {  	_ = 	snop  }
__scs_overlays_trampoline_lowered:
0x8: {  	[smem:$0x3FA8] =	sst s0  }
0x9: {  	[smem:$0x3FA9] =	sst s1  }
0xa: {  	[smem:$0x3FAA] =	sst s2  }
0xb: {  	[smem:$0x3FAB] =	sst s3  }
0xc: {  	[smem:$0x3FAC] =	sst s4  }
0xd: {  	[smem:$0x3FAD] =	sst s5  }
0xe: {  	[smem:$0x3FAE] =	sst s6  }
0xf: {  	[smem:$0x3FAF] =	sst s7  }
0x10: {  	[smem:$0x3FB0] =	sst s8  }
0x11: {  	[smem:$0x3FB1] =	sst s9;
	s0 =	simm.s32 @!p0 $0x0  }
0x12: {  	s1 =	sld [smem:$0x3F97];
	s0 =	simm.s32 @p0 $0x1  }
0x13: {  	[smem:$0x3FB2] =	sst s0;
	s0 =	simm.s32 @!p1 $0x0  }
0x14: {  	s2 =	sld [smem:$0x3F96];
	s0 =	simm.s32 @p1 $0x1  }
0x15: {  	[smem:$0x3FB3] =	sst s0;
	s0 =	simm.s32 @!p2 $0x0  }
0x16: {  	s3 =	sld [smem:$0x3FDB];
	s0 =	simm.s32 @p2 $0x1  }
0x17: {  	s4 =	simm.s32 $0x1BF5;
	[smem:$0x3FB5] =	sst s0  }
0x18: {  	s0 =	sld [smem:$0x3F98];
	_ =	swait.ge [sflag:s4], $0x0  }
0x19: {  	s7 =	sld [smem:$0x3F99]  }
0x1a: {  	s8 =	sadd.s32 $0xFFFFE003, lr  }
0x1b: {  	s9 =	sadd.s32 $0xFFFFFEF7, lr;
	s5 =	simm.s32 $0xFFFFFFFF;
	p2 =	slt.u32 s8, $0xFFFFF086  }
0x1c: {  	p1 =	slt.u32 s9, $0xF7A;
	s5 =	simm.s32 @!p2 $0x0  }
0x1d: {  	s5 =	simm.s32 @p1 $0x1;
	p0 =	seq.s32 s7, s2  }
0x1e: {  	s7 =	smul.u32 @!p0 $0xF7A, s2;
	p2 =	seq.s32 @!p0 s5, $0x0  }
0x1f: {  	s9 =	smul.u32 $0xF7A, s1;
	s8 =	simm.s32 @!p0 $0x1BF5;
	p2 =	por !p2, p0  }
0x20: {  	[sflag:s8] =	ssyncset.s32 @!p0 $0xFFFFF086;
	s6 =	sadd.s32 @!p0 s3, s7;
	s7 =	simm.s32 @!p0 $0x108  }
0x21: {  	s3 =	sadd.s32 s3, s9;
	s6 =	sadd.s32 @!p0 $0x88, s6;
	s7 =	simm.s32 @p2 $0x1082  }
0x22: {  	[simem:s7], [sflag:s8] =	dma.local @!p0 [hbm:s6], $0xF7A  }
0x23: {  	s9 =	sor.u32 $0xD0000000, s2;
	s6 =	simm.s32 $0x108;
	_ =	swait.ge @!p0 [sflag:s8], $0x0  }
0x24: {  	s3 =	sadd.s32 $0x88, s3;
	s6 =	simm.s32 @!p1 $0x1082;
	[sflag:s4] =	ssyncset.s32 $0xFFFFF086  }
0x25: {  	[simem:s6], [sflag:s4] =	dma.local [hbm:s3], $0xF7A  }
0x26: {  	[smem:$0x3F99] =	sst s1;
	(tag) =	ssettag s2;
	_ =	strace s9  }
0x27: {  	s1 =	sld [smem:$0x3FA9]  }
0x28: {  	s2 =	sld [smem:$0x3FAA]  }
0x29: {  	s4 =	sld [smem:$0x3FAC]  }
0x2a: {  	p0 =	seq.s32 s5, $0x0;
	s5 =	sld [smem:$0x3FAD]  }
0x2b: {  	s6 =	sld [smem:$0x3FAE]  }
0x2c: {  	s7 =	sld [smem:$0x3FAF]  }
0x2d: {  	s3 =	simm.s32 $0x108;
	s8 =	sld [smem:$0x3FB0]  }
0x2e: {  	s3 =	simm.s32 @!p0 $0x1082;
	s9 =	sld [smem:$0x3FB1]  }
0x2f: {  	lr =	sadd.s32 s0, s3;
	s0 =	sld [smem:$0x3FA8]  }
0x30: {  	s3 =	sld [smem:$0x3FAB]  }
0x31: {  	[smem:$0x3FB4] =	sst s10  }
0x32: {  	s10 =	sld [smem:$0x3FB2];
	_ =	sdelay $0x3  }
0x33: {  	p0 =	seq.s32 s10, $0x1;
	s10 =	sld [smem:$0x3FB4];
	_ =	sdelay $0x3  }
0x34: {  	[smem:$0x3FB4] =	sst s10  }
0x35: {  	s10 =	sld [smem:$0x3FB3];
	_ =	sdelay $0x3  }
0x36: {  	p1 =	seq.s32 s10, $0x1;
	s10 =	sld [smem:$0x3FB4];
	_ =	sdelay $0x3  }
0x37: {  	[smem:$0x3FB4] =	sst s10  }
0x38: {  	s10 =	sld [smem:$0x3FB5]  }
0x39: {  	_ = 	snop;
	(pc) =	sbr.ind lr, $3  }
0x3a: {  	_ = 	snop  }
0x3b: {  	_ = 	snop  }
0x3c: {  	p2 =	seq.s32 s10, $0x1;
	s10 =	sld [smem:$0x3FB4]  }
0x3d: {  	_ =	shalt  }
0x3e: {  	_ =	shalt  }
0x3f: {  	_ =	shalt  }
0x40: {  	_ =	shalt  }
0x41: {  	_ =	shalt  }
0x42: {  	_ =	shalt  }
0x43: {  	_ =	shalt  }
0x44: {  	_ =	shalt  }
0x45: {  	_ =	shalt  }
0x46: {  	_ =	shalt  }
0x47: {  	_ =	shalt  }
0x48: {  	_ =	shalt  }
0x49: {  	_ =	shalt  }
0x4a: {  	_ =	shalt  }
0x4b: {  	_ =	shalt  }
0x4c: {  	_ =	shalt  }
0x4d: {  	_ =	shalt  }
0x4e: {  	_ =	shalt  }
0x4f: {  	_ =	shalt  }
0x50: {  	_ =	shalt  }
0x51: {  	_ =	shalt  }
0x52: {  	_ =	shalt  }
0x53: {  	_ =	shalt  }
0x54: {  	_ =	shalt  }
0x55: {  	_ =	shalt  }
0x56: {  	_ =	shalt  }
0x57: {  	_ =	shalt  }
0x58: {  	_ =	shalt  }
0x59: {  	_ =	shalt  }
0x5a: {  	_ =	shalt  }
0x5b: {  	_ =	shalt  }
0x5c: {  	_ =	shalt  }
0x5d: {  	_ =	shalt  }
0x5e: {  	_ =	shalt  }
0x5f: {  	_ =	shalt  }
0x60: {  	_ =	shalt  }
0x61: {  	_ =	shalt  }
0x62: {  	_ =	shalt  }
0x63: {  	_ =	shalt  }
0x64: {  	_ =	shalt  }
0x65: {  	_ =	shalt  }
0x66: {  	_ =	shalt  }
0x67: {  	_ =	shalt  }
0x68: {  	_ =	shalt  }
0x69: {  	_ =	shalt  }
0x6a: {  	_ =	shalt  }
0x6b: {  	_ =	shalt  }
0x6c: {  	_ =	shalt  }
0x6d: {  	_ =	shalt  }
0x6e: {  	_ =	shalt  }
0x6f: {  	_ =	shalt  }
0x70: {  	_ =	shalt  }
0x71: {  	_ =	shalt  }
0x72: {  	_ =	shalt  }
0x73: {  	_ =	shalt  }
0x74: {  	_ =	shalt  }
0x75: {  	_ =	shalt  }
0x76: {  	_ =	shalt  }
0x77: {  	_ =	shalt  }
0x78: {  	_ =	shalt  }
0x79: {  	_ =	shalt  }
0x7a: {  	_ =	shalt  }
0x7b: {  	_ =	shalt  }
0x7c: {  	_ =	shalt  }
0x7d: {  	_ =	shalt  }
0x7e: {  	_ =	shalt  }
0x7f: {  	_ =	shalt  }
0x80: {  	_ =	shalt  }
0x81: {  	_ =	shalt  }
0x82: {  	_ =	shalt  }
0x83: {  	_ =	shalt  }
0x84: {  	_ =	shalt  }
0x85: {  	_ =	shalt  }
0x86: {  	_ =	shalt  }
0x87: {  	_ =	shalt  }
.Lfunc_end0:
.L_simem_size_0:
called_computation_lowered:
.L_overlay_start_0:
0x88: {  	s2 =	sld [smem:$0x3FD9]  }
0x89: {  	s3 =	sld [smem:$0x3FFE];
	_ =	sdelay $0x1  }
0x8a: {  	s1 =	srdreg.scid  }
0x8b: {  	s0 =	sand.u32 $0x1, s1  }
0x8c: {  	s17 =	sshll.u32 s0, $0xA;
	s2 =	sadd.s32 s3, s2  }
0x8d: {  	s2 =	sadd.s32 s2, s17  }
0x8e: {  	[smem:$0x3FC0] =	sst s2  }
0x8f: {  	_ = 	snop  }
0x90: {  	s2 =	sld [smem:$0x3FC9]  }
0x91: {  	s18 =	sld [smem:$0x3FC8]  }
0x92: {  	s4 =	sld [smem:$0x3FC7]  }
0x93: {  	s5 =	sld [smem:$0x3FC6];
	(tm) =	ssettm $0x1  }
0x94: {  	s6 =	sld [smem:$0x3FFB];
	_ =	sdelay $0x3  }
0x95: {  	_ =	strace s6  }
0x96: {  	s6 =	sld [smem:$0x3FFC];
	_ =	sdelay $0x3  }
0x97: {  	_ =	strace s6  }
0x98: {  	s6 =	sld [smem:$0x3FFD];
	_ =	sdelay $0x3  }
0x99: {  	_ =	strace s6  }
0x9a: {  	_ =	strace $0x8FFFFFFF  }
0x9b: {  	s19 =	sld [smem:$0x3FDB];
	_ =	sdelay $0x1  }
0x9c: {  	s7 =	simm.s32 $_scs_section_size  }
0x9d: {  	s8 =	simm.s32 $_size__tile_overlayer_lowered;
	s9 =	simm.s32 $_tile_overlayer_lowered  }
0x9e: {  	s22 =	simm.s32 $0x1BFF;
	s21 =	sshll.u32 s9, $0x1;
	s6 =	sadd.s32 s7, s19  }
0x9f: {  	s10 =	simm.s32 $0x0;
	s20 =	sshll.u32 s8, $0x1;
	s8 =	sadd.s32 s21, s6  }
0xa0: {  	[timem:s10], [sflag:s22] =	dma.local [hbm:s8], s20  }
0xa1: {  	_ =	swait.ge [sflag:s22], s20  }
0xa2: {  	s7 =	ssub.s32 $0x0, s20;
	[sflag:s22] =	ssyncset.done $0x0  }
0xa3: {  	[sflag:s22] =	ssyncadd.s32 s7;
	_ =	sdelay $0x1  }
0xa4: {  	s23 =	simm.s32 $0x1B8B  }
0xa5: {  	_ =	swait.ge [sflag:s23], $0x1  }
0xa6: {  	[sflag:s23] =	ssyncset.done $0x0  }
0xa7: {  	s25 =	simm.s32 $0x1B8E;
	s24 =	sld [smem:$0x3FFE];
	[sflag:s23] =	ssyncadd.s32 $0xFFFFFFFF  }
0xa8: {  	s26 =	simm.s32 $execute0_lowered;
	[smem:$0x3FD2] =	sst s25  }
0xa9: {  	s8 =	sshll.u32 s26, $0x1;
	_ =	strace $0x80000046;
	[dreg:$0x1] =	wrdreg $0xFFFFFFFF  }
0xaa: {  	s28 =	simm.s32 $_size_execute0_lowered;
	s6 =	sadd.s32 s6, s8;
	[dreg:$0x0] =	wrdreg $0x0  }
0xab: {  	s8 =	sshll.u32 s28, $0x1;
	[dreg:$0x2] =	wrdreg s6  }
0xac: {  	[dreg:$0x3] =	wrdreg s8  }
0xad: {  	[dreg:$0x4] =	wrdreg $0xC0  }
0xae: {  	_ =	task [dreg:s10], $0x5FFFF  }
0xaf: {  	[dreg:$0x1] =	wrdreg $0xFFFFFFFF  }
0xb0: {  	[dreg:$0x0] =	wrdreg $0x60  }
0xb1: {  	[dreg:$0x2] =	wrdreg s4  }
0xb2: {  	[dreg:$0x3] =	wrdreg s5  }
0xb3: {  	[dreg:$0x4] =	wrdreg s2  }
0xb4: {  	[dreg:$0x5] =	wrdreg s18  }
0xb5: {  	[dreg:$0x6] =	wrdreg s24  }
0xb6: {  	[dreg:$0x7] =	wrdreg $0x9  }
0xb7: {  	_ =	task.clear_ibuf [dreg:s10], $0x8FFFF;
	_ =	strace $0x90000046  }
0xb8: {  	s29 =	simm.s32 $0x9;
	_ =	strace $0x80000048  }
0xb9: {  	_ =	swait.ge [sflag:s29], $0x1  }
0xba: {  	[sflag:s29] =	ssyncadd.s32 $0xFFFFFFFF  }
0xbb: {  	_ =	strace $0x90000048  }
0xbc: {  	_ =	sfence  }
0xbd: {  	s30 =	sld [smem:$0x0];
	_ =	sdelay $0x2  }
0xbe: {  	s31 =	sshll.u32 s1, $0xD;
	s1 =	sshrl.u32 s1, $0x2  }
0xbf: {  	s3 =	sand.u32 $0x4000, s31;
	s1 =	sadd.s32 s1, s30  }
0xc0: {  	s0 =	sor.u32 s3, s0;
	s1 =	sshll.u32 s1, $0x11  }
0xc1: {  	s0 =	sor.u32 s1, s0  }
0xc2: {  	s0 =	sadd.s32 $0x8F2B, s0  }
0xc3: {  	[sflag:s0] =	ssyncadd.remote.s32 $0x1  }
0xc4: {  	_ =	sfence.sel $0xFFFF  }
0xc5: {  	[dreg:$0x0] =	wrdreg $0xFFFFFFFF;
	(pc) =	sbr.abs _section_cstart, $3  }
0xc6: {  	[dreg:$0x1] =	wrdreg $0xFFFFFFFF  }
0xc7: {  	_ =	task.clear_ibuf [dreg:s10], $0x2FFFF;
	_ =	strace $0x9FFFFFFF  }
0xc8: {  	(tm) =	ssettm $0x7FFFFFFF  }
0xc9: {  	_ =	shalt  }
tec
execute0_lowered:
.L_overlay_start_1:
0x0: {  	(tag) =	ssettag $0x1  }
0x1: {  	s1 =	rddreg [dreg:$0x0]  }
0x2: {  	s2 =	rddreg [dreg:$0x1]  }
0x3: {  	s5 =	rddreg [dreg:$0x2];
	s3 =	srdreg.scid  }
0x4: {  	s7 =	rddreg [dreg:$0x3];
	s0 =	stileid.u32;
	s25 =	sand.u32 $0x1, s3  }
0x5: {  	s17 =	rddreg [dreg:$0x4];
	s6 =	sshll.u32 s0, $0x9;
	s8 =	sshll.u32 s25, $0x8  }
0x6: {  	s4 =	simm.s32 $0x0;
	s3 =	rddreg [dreg:$0x5];
	s18 =	sor.u32 s8, s6  }
0x7: {  	[smem:$0x7FF] =	sst s4;
	s8 =	sshrl.u32 s18, $0x3  }
0x8: {  	_ =	strace $0x80000047;
	s6 =	simm.s32 $0x9;
	s5 =	sadd.s32 s5, s8  }
0x9: {  	[tilespmem:s4], [sflag:$0x9] =	stream.linear.gather [hbm4b:s5+s4], $0x100, $0x38;
	[tilespmem:$0x10200] =	vst v63  }
0xa: {  	_ =	swait.ge [sflag:s6], $0x100  }
0xb: {  	[sflag:s6] =	ssyncset.done $0x0  }
0xc: {  	s7 =	sadd.s32 s7, s8;
	s8 =	simm.s32 $0x100;
	[sflag:s6] =	ssyncadd.s32 $0xFFFFFF00  }
0xd: {  	[tilespmem:s8], [sflag:$0x9] =	stream.linear.gather [hbm4b:s7+s4], $0x100, $0x38;
	[tilespmem:$0x10200] =	vst v63  }
0xe: {  	_ =	swait.ge [sflag:s6], $0x100  }
0xf: {  	[sflag:s6] =	ssyncset.done $0x0  }
0x10: {  	s9 =	simm.s32 $0x80;
	s10 =	simm.s32 $0x200;
	[sflag:s6] =	ssyncadd.s32 $0xFFFFFF00  }
0x11: {  	[tilespmem:s10], [sflag:$0x1] =	stream.indirect.gather [hbm4b:s1+s9], $0x80, s4, s9, $0xb8;
	[tilespmem:$0x10200] =	vst v63  }
0x12: {  	s11 =	simm.s32 $0x8200  }
0x13: {  	[tilespmem:s11], [sflag:$0x3] =	stream.indirect.gather [hbm4b:s2+s9], $0x80, s8, s9, $0xb8;
	[tilespmem:$0x10200] =	vst v63  }
0x14: {  	s12 =	simm.s32 $0x4200  }
0x15: {  	[tilespmem:s12], [sflag:$0x2] =	stream.indirect.gather [hbm4b:s1+s9], $0x80, s9, s9, $0xb8;
	[tilespmem:$0x10200] =	vst v63  }
0x16: {  	s13 =	simm.s32 $0x180;
	s14 =	simm.s32 $0xC200;
	s15 =	simm.s32 $0x1  }
0x17: {  	[tilespmem:s14], [sflag:$0x4] =	stream.indirect.gather [hbm4b:s2+s9], $0x80, s13, s9, $0xb8;
	[tilespmem:$0x10200] =	vst v63  }
0x18: {  	_ =	swait.ge [sflag:s15], $0x4000  }
0x19: {  	[sflag:s15] =	ssyncset.done $0x0  }
0x1a: {  	s16 =	simm.s32 $0x3;
	[sflag:s15] =	ssyncadd.s32 $0xFFFFC000  }
0x1b: {  	_ =	swait.ge [sflag:s16], $0x4000  }
0x1c: {  	s21 =	sadd.s32 $0x2200, s17;
	s22 =	sshll.u32 s18, $0x4;
	[sflag:s16] =	ssyncset.done $0x0  }
0x1d: {  	s23 =	sadd.s32 $0x22200, s17;
	s17 =	sadd.s32 s21, s22;
	[sflag:s16] =	ssyncadd.s32 $0xFFFFC000  }
0x1e: {  	[hbm4b:s17+s4] =	stream.linear.scatter [tilespmem:s10], [sflag:$0x5], $0x4000, $0x38;
	[tilespmem:$0x10200] =	vst v63  }
0x1f: {  	s19 =	simm.s32 $0x2;
	s18 =	sadd.s32 s23, s22  }
0x20: {  	[hbm4b:s18+s4] =	stream.linear.scatter [tilespmem:s11], [sflag:$0x7], $0x4000, $0x38;
	[tilespmem:$0x10200] =	vst v63  }
0x21: {  	_ =	swait.ge [sflag:s19], $0x4000  }
0x22: {  	[sflag:s19] =	ssyncset.done $0x0  }
0x23: {  	s20 =	simm.s32 $0x4;
	[sflag:s19] =	ssyncadd.s32 $0xFFFFC000  }
0x24: {  	_ =	swait.ge [sflag:s20], $0x4000  }
0x25: {  	s22 =	sor.u32 $0x800, s22;
	[sflag:s20] =	ssyncset.done $0x0  }
0x26: {  	s21 =	sadd.s32 s21, s22;
	[sflag:s20] =	ssyncadd.s32 $0xFFFFC000  }
0x27: {  	[hbm4b:s21+s4] =	stream.linear.scatter [tilespmem:s12], [sflag:$0x6], $0x4000, $0x38;
	[tilespmem:$0x10200] =	vst v63  }
0x28: {  	s22 =	sadd.s32 s23, s22;
	s23 =	simm.s32 $0x5  }
0x29: {  	[hbm4b:s22+s4] =	stream.linear.scatter [tilespmem:s14], [sflag:$0x8], $0x4000, $0x38;
	[tilespmem:$0x10200] =	vst v63  }
0x2a: {  	_ =	swait.ge [sflag:s23], $0x4000  }
0x2b: {  	s26 =	ssub.s32 $0x2, s25;
	[sflag:s23] =	ssyncset.done $0x0  }
0x2c: {  	s24 =	simm.s32 $0x7;
	s28 =	sshrl.u32 s26, $0x1;
	[sflag:s23] =	ssyncadd.s32 $0xFFFFC000  }
0x2d: {  	s26 =	ssub.s32 s26, s28;
	_ =	swait.ge [sflag:s24], $0x4000  }
0x2e: {  	s28 =	smax.u32 s26, $0x1;
	[sflag:s24] =	ssyncset.done $0x0  }
0x2f: {  	s25 =	simm.s32 $0x6;
	p0 =	sne.s32 s28, $0x1;
	[sflag:s24] =	ssyncadd.s32 $0xFFFFC000  }
.Ltmp0:
0x30: {  	_ =	swait.ge [sflag:s25], $0x4000;
	(pc) =	sbr.rel @!p0 .LBB2_2-.Ltmp0, $4  }
0x31: {  	[sflag:s25] =	ssyncset.done $0x0  }
0x32: {  	s26 =	simm.s32 $0x8;
	[sflag:s25] =	ssyncadd.s32 $0xFFFFC000  }
0x33: {  	_ =	swait.ge [sflag:s26], $0x4000  }
0x34: {  	s28 =	sadd.s32 $0xFFFFFFFF, s28;
	[sflag:s26] =	ssyncset.done $0x0  }
.LBB2_1:
0x35: {  	p0 =	sne.s32 s28, $0x1;
	s28 =	sadd.s32 $0xFFFFFFFF, s28;
	[sflag:s26] =	ssyncadd.s32 $0xFFFFC000  }
0x36: {  	[tilespmem:s4], [sflag:$0x9] =	stream.linear.gather [hbm4b:s5+s4], $0x100, $0x38;
	[tilespmem:$0x10200] =	vst v63  }
0x37: {  	_ =	swait.ge [sflag:s6], $0x100  }
0x38: {  	[sflag:s6] =	ssyncset.done $0x0  }
0x39: {  	[sflag:s6] =	ssyncadd.s32 $0xFFFFFF00  }
0x3a: {  	[tilespmem:s8], [sflag:$0x9] =	stream.linear.gather [hbm4b:s7+s4], $0x100, $0x38;
	[tilespmem:$0x10200] =	vst v63  }
0x3b: {  	_ =	swait.ge [sflag:s6], $0x100  }
0x3c: {  	[sflag:s6] =	ssyncset.done $0x0  }
0x3d: {  	[sflag:s6] =	ssyncadd.s32 $0xFFFFFF00  }
0x3e: {  	[tilespmem:s10], [sflag:$0x1] =	stream.indirect.gather [hbm4b:s1+s9], $0x80, s4, s9, $0xb8;
	[tilespmem:$0x10200] =	vst v63  }
0x3f: {  	_ = 	snop  }
0x40: {  	[tilespmem:s11], [sflag:$0x3] =	stream.indirect.gather [hbm4b:s2+s9], $0x80, s8, s9, $0xb8;
	[tilespmem:$0x10200] =	vst v63  }
0x41: {  	_ = 	snop  }
0x42: {  	[tilespmem:s12], [sflag:$0x2] =	stream.indirect.gather [hbm4b:s1+s9], $0x80, s9, s9, $0xb8;
	[tilespmem:$0x10200] =	vst v63  }
0x43: {  	_ = 	snop  }
0x44: {  	[tilespmem:s14], [sflag:$0x4] =	stream.indirect.gather [hbm4b:s2+s9], $0x80, s13, s9, $0xb8;
	[tilespmem:$0x10200] =	vst v63  }
0x45: {  	_ =	swait.ge [sflag:s15], $0x4000  }
0x46: {  	[sflag:s15] =	ssyncset.done $0x0  }
0x47: {  	[sflag:s15] =	ssyncadd.s32 $0xFFFFC000  }
0x48: {  	_ =	swait.ge [sflag:s16], $0x4000  }
0x49: {  	[sflag:s16] =	ssyncset.done $0x0  }
0x4a: {  	[sflag:s16] =	ssyncadd.s32 $0xFFFFC000  }
0x4b: {  	[hbm4b:s17+s4] =	stream.linear.scatter [tilespmem:s10], [sflag:$0x5], $0x4000, $0x38;
	[tilespmem:$0x10200] =	vst v63  }
0x4c: {  	_ = 	snop  }
0x4d: {  	[hbm4b:s18+s4] =	stream.linear.scatter [tilespmem:s11], [sflag:$0x7], $0x4000, $0x38;
	[tilespmem:$0x10200] =	vst v63  }
0x4e: {  	_ =	swait.ge [sflag:s19], $0x4000  }
0x4f: {  	[sflag:s19] =	ssyncset.done $0x0  }
0x50: {  	[sflag:s19] =	ssyncadd.s32 $0xFFFFC000  }
0x51: {  	_ =	swait.ge [sflag:s20], $0x4000  }
0x52: {  	[sflag:s20] =	ssyncset.done $0x0  }
0x53: {  	[sflag:s20] =	ssyncadd.s32 $0xFFFFC000  }
0x54: {  	[hbm4b:s21+s4] =	stream.linear.scatter [tilespmem:s12], [sflag:$0x6], $0x4000, $0x38;
	[tilespmem:$0x10200] =	vst v63  }
0x55: {  	_ = 	snop  }
0x56: {  	[hbm4b:s22+s4] =	stream.linear.scatter [tilespmem:s14], [sflag:$0x8], $0x4000, $0x38;
	[tilespmem:$0x10200] =	vst v63  }
0x57: {  	_ =	swait.ge [sflag:s23], $0x4000  }
0x58: {  	[sflag:s23] =	ssyncset.done $0x0  }
0x59: {  	[sflag:s23] =	ssyncadd.s32 $0xFFFFC000  }
0x5a: {  	_ =	swait.ge [sflag:s24], $0x4000  }
0x5b: {  	[sflag:s24] =	ssyncset.done $0x0  }
0x5c: {  	[sflag:s24] =	ssyncadd.s32 $0xFFFFC000  }
.Ltmp1:
0x5d: {  	_ =	swait.ge [sflag:s25], $0x4000;
	(pc) =	sbr.rel @p0 .LBB2_1-.Ltmp1, $4  }
0x5e: {  	[sflag:s25] =	ssyncset.done $0x0  }
0x5f: {  	[sflag:s25] =	ssyncadd.s32 $0xFFFFC000  }
0x60: {  	_ =	swait.ge [sflag:s26], $0x4000  }
0x61: {  	[sflag:s26] =	ssyncset.done $0x0  }
.LBB2_2:
0x62: {  	[sflag:s26] =	ssyncadd.s32 $0xFFFFC000  }
0x63: {  	_ =	sfence.sel $0x180000  }
0x64: {  	[bflag:$0x0] =	sbarrier.arrive $0xFFFF  }
0x65: {  	p0 =	sne.s32 s0, $0x0;
	_ =	strace $0x90000047  }
0x66: {  	s0 =	sadd.s32 @!p0 $0x100000, s3;
	[bflag:$0x2] =	sbarrier.arrive $0xFFFF  }
0x67: {  	[sflag:s0] =	ssyncadd.tile.s32 @!p0 $0x1;
	_ =	shalt  }
.Lfunc_end2:
_tile_overlayer_lowered:
.L_overlay_start_2:
0x68: {  	(tag) =	ssettag $0x2  }
0x69: {  	s0 =	rddreg [dreg:$0x0];
	s2 =	stileid.u32  }
0x6a: {  	s1 =	rddreg [dreg:$0x1];
	p0 =	sne.s32 s2, $0x0  }
0x6b: {  	s3 =	rddreg [dreg:$0x2];
	[bflag:$0x3] =	sbarrier.arrive $0xFFFF;
	s2 =	simm.s32 @!p0 $0x1C09  }
0x6c: {  	[timem:s3], [sflag:s2] =	dma.local @!p0 [hbm:s0], s1  }
0x6d: {  	s0 =	simm.s32 @!p0 $0x9  }
0x6e: {  	_ =	swait.ge @!p0 [sflag:s0], s1  }
0x6f: {  	s1 =	ssub.s32 @!p0 $0x0, s1;
	[sflag:s0] =	ssyncset.done @!p0 $0x0  }
0x70: {  	[sflag:s0] =	ssyncadd.s32 @!p0 s1  }
0x71: {  	[bflag:$0x3] =	sbarrier.arrive $0xFFFF  }
0x72: {  	_ =	shalt  }

// kernel: kernel.9.cloned.1.call-start
scs
__scs_entry_jumppad:
0x0: {  	(pc) =	sbr.rel $0x88, $3  }
0x1: {  	(tag) =	ssettag $0x0;
	lr =	simm.s32 $0x1  }
0x2: {  	[smem:$0x3F99] =	sst lr;
	_ =	strace $0xD0000000  }
0x3: {  	_ = 	snop  }
0x4: {  	_ = 	snop  }
0x5: {  	_ = 	snop  }
0x6: {  	_ = 	snop  }
0x7: {  	_ = 	snop  }
__scs_overlays_trampoline_lowered:
0x8: {  	[smem:$0x3FA8] =	sst s0  }
0x9: {  	[smem:$0x3FA9] =	sst s1  }
0xa: {  	[smem:$0x3FAA] =	sst s2  }
0xb: {  	[smem:$0x3FAB] =	sst s3  }
0xc: {  	[smem:$0x3FAC] =	sst s4  }
0xd: {  	[smem:$0x3FAD] =	sst s5  }
0xe: {  	[smem:$0x3FAE] =	sst s6  }
0xf: {  	[smem:$0x3FAF] =	sst s7  }
0x10: {  	[smem:$0x3FB0] =	sst s8  }
0x11: {  	[smem:$0x3FB1] =	sst s9;
	s0 =	simm.s32 @!p0 $0x0  }
0x12: {  	s1 =	sld [smem:$0x3F97];
	s0 =	simm.s32 @p0 $0x1  }
0x13: {  	[smem:$0x3FB2] =	sst s0;
	s0 =	simm.s32 @!p1 $0x0  }
0x14: {  	s2 =	sld [smem:$0x3F96];
	s0 =	simm.s32 @p1 $0x1  }
0x15: {  	[smem:$0x3FB3] =	sst s0;
	s0 =	simm.s32 @!p2 $0x0  }
0x16: {  	s3 =	sld [smem:$0x3FDB];
	s0 =	simm.s32 @p2 $0x1  }
0x17: {  	s4 =	simm.s32 $0x1BF5;
	[smem:$0x3FB5] =	sst s0  }
0x18: {  	s0 =	sld [smem:$0x3F98];
	_ =	swait.ge [sflag:s4], $0x0  }
0x19: {  	s7 =	sld [smem:$0x3F99]  }
0x1a: {  	s8 =	sadd.s32 $0xFFFFE003, lr  }
0x1b: {  	s9 =	sadd.s32 $0xFFFFFEF7, lr;
	s5 =	simm.s32 $0xFFFFFFFF;
	p2 =	slt.u32 s8, $0xFFFFF086  }
0x1c: {  	p1 =	slt.u32 s9, $0xF7A;
	s5 =	simm.s32 @!p2 $0x0  }
0x1d: {  	s5 =	simm.s32 @p1 $0x1;
	p0 =	seq.s32 s7, s2  }
0x1e: {  	s7 =	smul.u32 @!p0 $0xF7A, s2;
	p2 =	seq.s32 @!p0 s5, $0x0  }
0x1f: {  	s9 =	smul.u32 $0xF7A, s1;
	s8 =	simm.s32 @!p0 $0x1BF5;
	p2 =	por !p2, p0  }
0x20: {  	[sflag:s8] =	ssyncset.s32 @!p0 $0xFFFFF086;
	s6 =	sadd.s32 @!p0 s3, s7;
	s7 =	simm.s32 @!p0 $0x108  }
0x21: {  	s3 =	sadd.s32 s3, s9;
	s6 =	sadd.s32 @!p0 $0x88, s6;
	s7 =	simm.s32 @p2 $0x1082  }
0x22: {  	[simem:s7], [sflag:s8] =	dma.local @!p0 [hbm:s6], $0xF7A  }
0x23: {  	s9 =	sor.u32 $0xD0000000, s2;
	s6 =	simm.s32 $0x108;
	_ =	swait.ge @!p0 [sflag:s8], $0x0  }
0x24: {  	s3 =	sadd.s32 $0x88, s3;
	s6 =	simm.s32 @!p1 $0x1082;
	[sflag:s4] =	ssyncset.s32 $0xFFFFF086  }
0x25: {  	[simem:s6], [sflag:s4] =	dma.local [hbm:s3], $0xF7A  }
0x26: {  	[smem:$0x3F99] =	sst s1;
	(tag) =	ssettag s2;
	_ =	strace s9  }
0x27: {  	s1 =	sld [smem:$0x3FA9]  }
0x28: {  	s2 =	sld [smem:$0x3FAA]  }
0x29: {  	s4 =	sld [smem:$0x3FAC]  }
0x2a: {  	p0 =	seq.s32 s5, $0x0;
	s5 =	sld [smem:$0x3FAD]  }
0x2b: {  	s6 =	sld [smem:$0x3FAE]  }
0x2c: {  	s7 =	sld [smem:$0x3FAF]  }
0x2d: {  	s3 =	simm.s32 $0x108;
	s8 =	sld [smem:$0x3FB0]  }
0x2e: {  	s3 =	simm.s32 @!p0 $0x1082;
	s9 =	sld [smem:$0x3FB1]  }
0x2f: {  	lr =	sadd.s32 s0, s3;
	s0 =	sld [smem:$0x3FA8]  }
0x30: {  	s3 =	sld [smem:$0x3FAB]  }
0x31: {  	[smem:$0x3FB4] =	sst s10  }
0x32: {  	s10 =	sld [smem:$0x3FB2];
	_ =	sdelay $0x3  }
0x33: {  	p0 =	seq.s32 s10, $0x1;
	s10 =	sld [smem:$0x3FB4];
	_ =	sdelay $0x3  }
0x34: {  	[smem:$0x3FB4] =	sst s10  }
0x35: {  	s10 =	sld [smem:$0x3FB3];
	_ =	sdelay $0x3  }
0x36: {  	p1 =	seq.s32 s10, $0x1;
	s10 =	sld [smem:$0x3FB4];
	_ =	sdelay $0x3  }
0x37: {  	[smem:$0x3FB4] =	sst s10  }
0x38: {  	s10 =	sld [smem:$0x3FB5]  }
0x39: {  	_ = 	snop;
	(pc) =	sbr.ind lr, $3  }
0x3a: {  	_ = 	snop  }
0x3b: {  	_ = 	snop  }
0x3c: {  	p2 =	seq.s32 s10, $0x1;
	s10 =	sld [smem:$0x3FB4]  }
0x3d: {  	_ =	shalt  }
0x3e: {  	_ =	shalt  }
0x3f: {  	_ =	shalt  }
0x40: {  	_ =	shalt  }
0x41: {  	_ =	shalt  }
0x42: {  	_ =	shalt  }
0x43: {  	_ =	shalt  }
0x44: {  	_ =	shalt  }
0x45: {  	_ =	shalt  }
0x46: {  	_ =	shalt  }
0x47: {  	_ =	shalt  }
0x48: {  	_ =	shalt  }
0x49: {  	_ =	shalt  }
0x4a: {  	_ =	shalt  }
0x4b: {  	_ =	shalt  }
0x4c: {  	_ =	shalt  }
0x4d: {  	_ =	shalt  }
0x4e: {  	_ =	shalt  }
0x4f: {  	_ =	shalt  }
0x50: {  	_ =	shalt  }
0x51: {  	_ =	shalt  }
0x52: {  	_ =	shalt  }
0x53: {  	_ =	shalt  }
0x54: {  	_ =	shalt  }
0x55: {  	_ =	shalt  }
0x56: {  	_ =	shalt  }
0x57: {  	_ =	shalt  }
0x58: {  	_ =	shalt  }
0x59: {  	_ =	shalt  }
0x5a: {  	_ =	shalt  }
0x5b: {  	_ =	shalt  }
0x5c: {  	_ =	shalt  }
0x5d: {  	_ =	shalt  }
0x5e: {  	_ =	shalt  }
0x5f: {  	_ =	shalt  }
0x60: {  	_ =	shalt  }
0x61: {  	_ =	shalt  }
0x62: {  	_ =	shalt  }
0x63: {  	_ =	shalt  }
0x64: {  	_ =	shalt  }
0x65: {  	_ =	shalt  }
0x66: {  	_ =	shalt  }
0x67: {  	_ =	shalt  }
0x68: {  	_ =	shalt  }
0x69: {  	_ =	shalt  }
0x6a: {  	_ =	shalt  }
0x6b: {  	_ =	shalt  }
0x6c: {  	_ =	shalt  }
0x6d: {  	_ =	shalt  }
0x6e: {  	_ =	shalt  }
0x6f: {  	_ =	shalt  }
0x70: {  	_ =	shalt  }
0x71: {  	_ =	shalt  }
0x72: {  	_ =	shalt  }
0x73: {  	_ =	shalt  }
0x74: {  	_ =	shalt  }
0x75: {  	_ =	shalt  }
0x76: {  	_ =	shalt  }
0x77: {  	_ =	shalt  }
0x78: {  	_ =	shalt  }
0x79: {  	_ =	shalt  }
0x7a: {  	_ =	shalt  }
0x7b: {  	_ =	shalt  }
0x7c: {  	_ =	shalt  }
0x7d: {  	_ =	shalt  }
0x7e: {  	_ =	shalt  }
0x7f: {  	_ =	shalt  }
0x80: {  	_ =	shalt  }
0x81: {  	_ =	shalt  }
0x82: {  	_ =	shalt  }
0x83: {  	_ =	shalt  }
0x84: {  	_ =	shalt  }
0x85: {  	_ =	shalt  }
0x86: {  	_ =	shalt  }
0x87: {  	_ =	shalt  }
.Lfunc_end0:
.L_simem_size_0:
called_computation.1_lowered:
.L_overlay_start_0:
0x88: {  	s2 =	sld [smem:$0x3FD9]  }
0x89: {  	s3 =	sld [smem:$0x3FFE];
	_ =	sdelay $0x1  }
0x8a: {  	s1 =	srdreg.scid  }
0x8b: {  	s0 =	sand.u32 $0x1, s1  }
0x8c: {  	s17 =	sshll.u32 s0, $0xA;
	s2 =	sadd.s32 s3, s2  }
0x8d: {  	s2 =	sadd.s32 s2, s17  }
0x8e: {  	[smem:$0x3FC0] =	sst s2  }
0x8f: {  	_ = 	snop  }
0x90: {  	s18 =	sld [smem:$0x3FC9]  }
0x91: {  	s4 =	sld [smem:$0x3FC8]  }
0x92: {  	s5 =	sld [smem:$0x3FC7]  }
0x93: {  	s6 =	sld [smem:$0x3FC6];
	(tm) =	ssettm $0x1  }
0x94: {  	s19 =	sld [smem:$0x3FFB];
	_ =	sdelay $0x3  }
0x95: {  	_ =	strace s19  }
0x96: {  	s2 =	sld [smem:$0x3FFC];
	_ =	sdelay $0x3  }
0x97: {  	_ =	strace s2  }
0x98: {  	s2 =	sld [smem:$0x3FFD];
	_ =	sdelay $0x3  }
0x99: {  	_ =	strace s2  }
0x9a: {  	_ =	strace $0x8FFFFFFF  }
0x9b: {  	s20 =	sld [smem:$0x3FDB];
	_ =	sdelay $0x1  }
0x9c: {  	s7 =	simm.s32 $_scs_section_size  }
0x9d: {  	s8 =	simm.s32 $_size__tile_overlayer_lowered;
	s9 =	simm.s32 $_tile_overlayer_lowered  }
0x9e: {  	s10 =	simm.s32 $0x1BFF;
	s21 =	sshll.u32 s9, $0x1;
	s7 =	sadd.s32 s7, s20  }
0x9f: {  	s22 =	simm.s32 $0x0;
	s8 =	sshll.u32 s8, $0x1;
	s9 =	sadd.s32 s21, s7  }
0xa0: {  	[timem:s22], [sflag:s10] =	dma.local [hbm:s9], s8  }
0xa1: {  	_ =	swait.ge [sflag:s10], s8  }
0xa2: {  	s8 =	ssub.s32 $0x0, s8;
	[sflag:s10] =	ssyncset.done $0x0  }
0xa3: {  	[sflag:s10] =	ssyncadd.s32 s8;
	_ =	sdelay $0x1  }
0xa4: {  	s23 =	simm.s32 $0x1B8B  }
0xa5: {  	_ =	swait.ge [sflag:s23], $0x1  }
0xa6: {  	[sflag:s23] =	ssyncset.done $0x0  }
0xa7: {  	[sflag:s23] =	ssyncadd.s32 $0xFFFFFFFF  }
0xa8: {  	s8 =	sld [smem:$0x0]  }
0xa9: {  	s9 =	sand.u32 $0xFFFFFFFE, s1  }
0xaa: {  	p0 =	sne.s32 s1, s9  }
0xab: {  	s9 =	sshll.u32 @p0 s9, $0xE  }
0xac: {  	s9 =	sadd.s32 @p0 $0x11B8D, s9;
	s10 =	sshll.u32 @p0 s8, $0x11  }
0xad: {  	s9 =	sor.u32 @p0 s10, s9  }
0xae: {  	[sflag:s9] =	ssyncadd.remote.s32 @p0 $0x1;
	_ =	sdelay $0x1  }
0xaf: {  	s9 =	simm.s32 @p0 $0x1B8D  }
0xb0: {  	_ =	swait.eq @p0 [sflag:s9], $0x1  }
0xb1: {  	[sflag:s9] =	ssyncadd.s32 @p0 $0xFFFFFFFF  }
0xb2: {  	s10 =	sshll.u32 @!p0 s1, $0xE  }
0xb3: {  	s10 =	sor.u32 @!p0 $0x4000, s10;
	s9 =	simm.s32 @!p0 $0x1B8D  }
0xb4: {  	s8 =	sshll.u32 @!p0 s8, $0x11;
	s10 =	sadd.s32 @!p0 $0x11B8D, s10;
	_ =	swait.eq @!p0 [sflag:s9], $0x1  }
0xb5: {  	s8 =	sor.u32 @!p0 s8, s10;
	[sflag:s9] =	ssyncadd.s32 @!p0 $0xFFFFFFFF  }
0xb6: {  	s25 =	simm.s32 $0x1B8E;
	s24 =	sld [smem:$0x3FFE];
	[sflag:s8] =	ssyncadd.remote.s32 @!p0 $0x1  }
0xb7: {  	s26 =	simm.s32 $execute0_lowered;
	[smem:$0x3FD2] =	sst s25  }
0xb8: {  	s9 =	sshll.u32 s26, $0x1;
	_ =	strace $0x80000049;
	[dreg:$0x1] =	wrdreg $0xFFFFFFFF  }
0xb9: {  	s28 =	simm.s32 $_size_execute0_lowered;
	s7 =	sadd.s32 s7, s9;
	[dreg:$0x0] =	wrdreg $0x0  }
0xba: {  	s9 =	sshll.u32 s28, $0x1;
	[dreg:$0x2] =	wrdreg s7  }
0xbb: {  	[dreg:$0x3] =	wrdreg s9  }
0xbc: {  	[dreg:$0x4] =	wrdreg $0xC0  }
0xbd: {  	_ =	task [dreg:s22], $0x5FFFF  }
0xbe: {  	[dreg:$0x1] =	wrdreg $0xFFFFFFFF  }
0xbf: {  	[dreg:$0x0] =	wrdreg $0x60  }
0xc0: {  	[dreg:$0x2] =	wrdreg s5  }
0xc1: {  	[dreg:$0x3] =	wrdreg s6  }
0xc2: {  	[dreg:$0x4] =	wrdreg s18  }
0xc3: {  	[dreg:$0x5] =	wrdreg s4  }
0xc4: {  	[dreg:$0x6] =	wrdreg s24  }
0xc5: {  	[dreg:$0x7] =	wrdreg $0xA  }
0xc6: {  	_ =	task.clear_ibuf [dreg:s22], $0x8FFFF;
	_ =	strace $0x90000049  }
0xc7: {  	s29 =	simm.s32 $0xA;
	_ =	strace $0x8000004B  }
0xc8: {  	_ =	swait.ge [sflag:s29], $0x1  }
0xc9: {  	[sflag:s29] =	ssyncadd.s32 $0xFFFFFFFF  }
0xca: {  	_ =	strace $0x9000004B  }
0xcb: {  	_ =	sfence  }
0xcc: {  	s30 =	sld [smem:$0x0];
	_ =	sdelay $0x2  }
0xcd: {  	s31 =	sshll.u32 s1, $0xD;
	s1 =	sshrl.u32 s1, $0x2  }
0xce: {  	s4 =	sand.u32 $0x4000, s31;
	s1 =	sadd.s32 s1, s30  }
0xcf: {  	s0 =	sor.u32 s4, s0;
	s1 =	sshll.u32 s1, $0x11  }
0xd0: {  	s0 =	sor.u32 s1, s0  }
0xd1: {  	s0 =	sadd.s32 $0x8F2B, s0  }
0xd2: {  	[sflag:s0] =	ssyncadd.remote.s32 $0x1  }
0xd3: {  	_ =	sfence.sel $0xFFFF  }
0xd4: {  	[dreg:$0x0] =	wrdreg $0xFFFFFFFF;
	(pc) =	sbr.abs _section_cstart, $3  }
0xd5: {  	[dreg:$0x1] =	wrdreg $0xFFFFFFFF  }
0xd6: {  	_ =	task.clear_ibuf [dreg:s22], $0x2FFFF;
	_ =	strace $0x9FFFFFFF  }
0xd7: {  	(tm) =	ssettm $0x7FFFFFFF  }
tec
execute0_lowered:
.L_overlay_start_1:
0x0: {  	(tag) =	ssettag $0x1  }
0x1: {  	s1 =	rddreg [dreg:$0x0]  }
0x2: {  	s2 =	rddreg [dreg:$0x1];
	s3 =	srdreg.scid  }
0x3: {  	s5 =	rddreg [dreg:$0x2];
	s0 =	stileid.u32;
	s25 =	sand.u32 $0x1, s3  }
0x4: {  	s7 =	rddreg [dreg:$0x3];
	s31 =	sshll.u32 s0, $0x9;
	s4 =	sshll.u32 s25, $0x8  }
0x5: {  	s17 =	rddreg [dreg:$0x4];
	s18 =	sor.u32 s4, s31  }
0x6: {  	s3 =	rddreg [dreg:$0x5];
	s4 =	simm.s32 $0x0;
	s6 =	sshrl.u32 s18, $0x3  }
0x7: {  	[smem:$0x7FF] =	sst s4;
	s8 =	sor.u32 $0x400, s6  }
0x8: {  	_ =	strace $0x8000004A;
	s6 =	simm.s32 $0x9;
	s5 =	sadd.s32 s5, s8  }
0x9: {  	[tilespmem:s4], [sflag:$0x9] =	stream.linear.gather [hbm4b:s5+s4], $0x100, $0x38;
	[tilespmem:$0x10200] =	vst v63  }
0xa: {  	_ =	swait.ge [sflag:s6], $0x100  }
0xb: {  	[sflag:s6] =	ssyncset.done $0x0  }
0xc: {  	s7 =	sadd.s32 s7, s8;
	s8 =	simm.s32 $0x100;
	[sflag:s6] =	ssyncadd.s32 $0xFFFFFF00  }
0xd: {  	[tilespmem:s8], [sflag:$0x9] =	stream.linear.gather [hbm4b:s7+s4], $0x100, $0x38;
	[tilespmem:$0x10200] =	vst v63  }
0xe: {  	_ =	swait.ge [sflag:s6], $0x100  }
0xf: {  	[sflag:s6] =	ssyncset.done $0x0  }
0x10: {  	s9 =	simm.s32 $0x80;
	s10 =	simm.s32 $0x200;
	[sflag:s6] =	ssyncadd.s32 $0xFFFFFF00  }
0x11: {  	[tilespmem:s10], [sflag:$0x1] =	stream.indirect.gather [hbm4b:s1+s9], $0x80, s4, s9, $0xb8;
	[tilespmem:$0x10200] =	vst v63  }
0x12: {  	s11 =	simm.s32 $0x8200  }
0x13: {  	[tilespmem:s11], [sflag:$0x3] =	stream.indirect.gather [hbm4b:s2+s9], $0x80, s8, s9, $0xb8;
	[tilespmem:$0x10200] =	vst v63  }
0x14: {  	s12 =	simm.s32 $0x4200  }
0x15: {  	[tilespmem:s12], [sflag:$0x2] =	stream.indirect.gather [hbm4b:s1+s9], $0x80, s9, s9, $0xb8;
	[tilespmem:$0x10200] =	vst v63  }
0x16: {  	s13 =	simm.s32 $0x180;
	s14 =	simm.s32 $0xC200;
	s15 =	simm.s32 $0x1  }
0x17: {  	[tilespmem:s14], [sflag:$0x4] =	stream.indirect.gather [hbm4b:s2+s9], $0x80, s13, s9, $0xb8;
	[tilespmem:$0x10200] =	vst v63  }
0x18: {  	_ =	swait.ge [sflag:s15], $0x4000  }
0x19: {  	[sflag:s15] =	ssyncset.done $0x0  }
0x1a: {  	s16 =	simm.s32 $0x3;
	[sflag:s15] =	ssyncadd.s32 $0xFFFFC000  }
0x1b: {  	_ =	swait.ge [sflag:s16], $0x4000  }
0x1c: {  	s21 =	sadd.s32 $0x42200, s17;
	s22 =	sshll.u32 s18, $0x4;
	[sflag:s16] =	ssyncset.done $0x0  }
0x1d: {  	s23 =	sadd.s32 $0x62200, s17;
	s17 =	sadd.s32 s21, s22;
	[sflag:s16] =	ssyncadd.s32 $0xFFFFC000  }
0x1e: {  	[hbm4b:s17+s4] =	stream.linear.scatter [tilespmem:s10], [sflag:$0x5], $0x4000, $0x38;
	[tilespmem:$0x10200] =	vst v63  }
0x1f: {  	s19 =	simm.s32 $0x2;
	s18 =	sadd.s32 s23, s22  }
0x20: {  	[hbm4b:s18+s4] =	stream.linear.scatter [tilespmem:s11], [sflag:$0x7], $0x4000, $0x38;
	[tilespmem:$0x10200] =	vst v63  }
0x21: {  	_ =	swait.ge [sflag:s19], $0x4000  }
0x22: {  	[sflag:s19] =	ssyncset.done $0x0  }
0x23: {  	s20 =	simm.s32 $0x4;
	[sflag:s19] =	ssyncadd.s32 $0xFFFFC000  }
0x24: {  	_ =	swait.ge [sflag:s20], $0x4000  }
0x25: {  	s22 =	sor.u32 $0x800, s22;
	[sflag:s20] =	ssyncset.done $0x0  }
0x26: {  	s21 =	sadd.s32 s21, s22;
	[sflag:s20] =	ssyncadd.s32 $0xFFFFC000  }
0x27: {  	[hbm4b:s21+s4] =	stream.linear.scatter [tilespmem:s12], [sflag:$0x6], $0x4000, $0x38;
	[tilespmem:$0x10200] =	vst v63  }
0x28: {  	s22 =	sadd.s32 s23, s22;
	s23 =	simm.s32 $0x5  }
0x29: {  	[hbm4b:s22+s4] =	stream.linear.scatter [tilespmem:s14], [sflag:$0x8], $0x4000, $0x38;
	[tilespmem:$0x10200] =	vst v63  }
0x2a: {  	_ =	swait.ge [sflag:s23], $0x4000  }
0x2b: {  	s26 =	ssub.s32 $0x2, s25;
	[sflag:s23] =	ssyncset.done $0x0  }
0x2c: {  	s24 =	simm.s32 $0x7;
	s28 =	sshrl.u32 s26, $0x1;
	[sflag:s23] =	ssyncadd.s32 $0xFFFFC000  }
0x2d: {  	s26 =	ssub.s32 s26, s28;
	_ =	swait.ge [sflag:s24], $0x4000  }
0x2e: {  	s28 =	smax.u32 s26, $0x1;
	[sflag:s24] =	ssyncset.done $0x0  }
0x2f: {  	s25 =	simm.s32 $0x6;
	p0 =	sne.s32 s28, $0x1;
	[sflag:s24] =	ssyncadd.s32 $0xFFFFC000  }
.Ltmp0:
0x30: {  	_ =	swait.ge [sflag:s25], $0x4000;
	(pc) =	sbr.rel @!p0 .LBB2_2-.Ltmp0, $4  }
0x31: {  	[sflag:s25] =	ssyncset.done $0x0  }
0x32: {  	s26 =	simm.s32 $0x8;
	[sflag:s25] =	ssyncadd.s32 $0xFFFFC000  }
0x33: {  	_ =	swait.ge [sflag:s26], $0x4000  }
0x34: {  	s28 =	sadd.s32 $0xFFFFFFFF, s28;
	[sflag:s26] =	ssyncset.done $0x0  }
.LBB2_1:
0x35: {  	p0 =	sne.s32 s28, $0x1;
	s28 =	sadd.s32 $0xFFFFFFFF, s28;
	[sflag:s26] =	ssyncadd.s32 $0xFFFFC000  }
0x36: {  	[tilespmem:s4], [sflag:$0x9] =	stream.linear.gather [hbm4b:s5+s4], $0x100, $0x38;
	[tilespmem:$0x10200] =	vst v63  }
0x37: {  	_ =	swait.ge [sflag:s6], $0x100  }
0x38: {  	[sflag:s6] =	ssyncset.done $0x0  }
0x39: {  	[sflag:s6] =	ssyncadd.s32 $0xFFFFFF00  }
0x3a: {  	[tilespmem:s8], [sflag:$0x9] =	stream.linear.gather [hbm4b:s7+s4], $0x100, $0x38;
	[tilespmem:$0x10200] =	vst v63  }
0x3b: {  	_ =	swait.ge [sflag:s6], $0x100  }
0x3c: {  	[sflag:s6] =	ssyncset.done $0x0  }
0x3d: {  	[sflag:s6] =	ssyncadd.s32 $0xFFFFFF00  }
0x3e: {  	[tilespmem:s10], [sflag:$0x1] =	stream.indirect.gather [hbm4b:s1+s9], $0x80, s4, s9, $0xb8;
	[tilespmem:$0x10200] =	vst v63  }
0x3f: {  	_ = 	snop  }
0x40: {  	[tilespmem:s11], [sflag:$0x3] =	stream.indirect.gather [hbm4b:s2+s9], $0x80, s8, s9, $0xb8;
	[tilespmem:$0x10200] =	vst v63  }
0x41: {  	_ = 	snop  }
0x42: {  	[tilespmem:s12], [sflag:$0x2] =	stream.indirect.gather [hbm4b:s1+s9], $0x80, s9, s9, $0xb8;
	[tilespmem:$0x10200] =	vst v63  }
0x43: {  	_ = 	snop  }
0x44: {  	[tilespmem:s14], [sflag:$0x4] =	stream.indirect.gather [hbm4b:s2+s9], $0x80, s13, s9, $0xb8;
	[tilespmem:$0x10200] =	vst v63  }
0x45: {  	_ =	swait.ge [sflag:s15], $0x4000  }
0x46: {  	[sflag:s15] =	ssyncset.done $0x0  }
0x47: {  	[sflag:s15] =	ssyncadd.s32 $0xFFFFC000  }
0x48: {  	_ =	swait.ge [sflag:s16], $0x4000  }
0x49: {  	[sflag:s16] =	ssyncset.done $0x0  }
0x4a: {  	[sflag:s16] =	ssyncadd.s32 $0xFFFFC000  }
0x4b: {  	[hbm4b:s17+s4] =	stream.linear.scatter [tilespmem:s10], [sflag:$0x5], $0x4000, $0x38;
	[tilespmem:$0x10200] =	vst v63  }
0x4c: {  	_ = 	snop  }
0x4d: {  	[hbm4b:s18+s4] =	stream.linear.scatter [tilespmem:s11], [sflag:$0x7], $0x4000, $0x38;
	[tilespmem:$0x10200] =	vst v63  }
0x4e: {  	_ =	swait.ge [sflag:s19], $0x4000  }
0x4f: {  	[sflag:s19] =	ssyncset.done $0x0  }
0x50: {  	[sflag:s19] =	ssyncadd.s32 $0xFFFFC000  }
0x51: {  	_ =	swait.ge [sflag:s20], $0x4000  }
0x52: {  	[sflag:s20] =	ssyncset.done $0x0  }
0x53: {  	[sflag:s20] =	ssyncadd.s32 $0xFFFFC000  }
0x54: {  	[hbm4b:s21+s4] =	stream.linear.scatter [tilespmem:s12], [sflag:$0x6], $0x4000, $0x38;
	[tilespmem:$0x10200] =	vst v63  }
0x55: {  	_ = 	snop  }
0x56: {  	[hbm4b:s22+s4] =	stream.linear.scatter [tilespmem:s14], [sflag:$0x8], $0x4000, $0x38;
	[tilespmem:$0x10200] =	vst v63  }
0x57: {  	_ =	swait.ge [sflag:s23], $0x4000  }
0x58: {  	[sflag:s23] =	ssyncset.done $0x0  }
0x59: {  	[sflag:s23] =	ssyncadd.s32 $0xFFFFC000  }
0x5a: {  	_ =	swait.ge [sflag:s24], $0x4000  }
0x5b: {  	[sflag:s24] =	ssyncset.done $0x0  }
0x5c: {  	[sflag:s24] =	ssyncadd.s32 $0xFFFFC000  }
.Ltmp1:
0x5d: {  	_ =	swait.ge [sflag:s25], $0x4000;
	(pc) =	sbr.rel @p0 .LBB2_1-.Ltmp1, $4  }
0x5e: {  	[sflag:s25] =	ssyncset.done $0x0  }
0x5f: {  	[sflag:s25] =	ssyncadd.s32 $0xFFFFC000  }
0x60: {  	_ =	swait.ge [sflag:s26], $0x4000  }
0x61: {  	[sflag:s26] =	ssyncset.done $0x0  }
.LBB2_2:
0x62: {  	[sflag:s26] =	ssyncadd.s32 $0xFFFFC000  }
0x63: {  	_ =	sfence.sel $0x180000  }
0x64: {  	[bflag:$0x0] =	sbarrier.arrive $0xFFFF  }
0x65: {  	p0 =	sne.s32 s0, $0x0;
	_ =	strace $0x9000004A  }
0x66: {  	s0 =	sadd.s32 @!p0 $0x100000, s3;
	[bflag:$0x2] =	sbarrier.arrive $0xFFFF  }
0x67: {  	[sflag:s0] =	ssyncadd.tile.s32 @!p0 $0x1;
	_ =	shalt  }
.Lfunc_end2:
_tile_overlayer_lowered:
.L_overlay_start_2:
0x68: {  	(tag) =	ssettag $0x2  }
0x69: {  	s0 =	rddreg [dreg:$0x0];
	s2 =	stileid.u32  }
0x6a: {  	s1 =	rddreg [dreg:$0x1];
	p0 =	sne.s32 s2, $0x0  }
0x6b: {  	s3 =	rddreg [dreg:$0x2];
	[bflag:$0x3] =	sbarrier.arrive $0xFFFF;
	s2 =	simm.s32 @!p0 $0x1C09  }
0x6c: {  	[timem:s3], [sflag:s2] =	dma.local @!p0 [hbm:s0], s1  }
0x6d: {  	s0 =	simm.s32 @!p0 $0x9  }
0x6e: {  	_ =	swait.ge @!p0 [sflag:s0], s1  }
0x6f: {  	s1 =	ssub.s32 @!p0 $0x0, s1;
	[sflag:s0] =	ssyncset.done @!p0 $0x0  }
0x70: {  	[sflag:s0] =	ssyncadd.s32 @!p0 s1  }
0x71: {  	[bflag:$0x3] =	sbarrier.arrive $0xFFFF  }
0x72: {  	_ =	shalt  }

</sc_bundles>
